<compile_context>
chip_gen: v7x
topology: tpu7x:2x2x1
jax: 0.10.2.dev20260603
libtpu: 0.0.44.dev20260713+nightly
codegen_flags: <defaults>
</compile_context>

<pallas_src>
import jax
import jax.numpy as jnp
from jax.experimental import pallas as pl
from jax.experimental.pallas import tpu as pltpu
from jax.experimental.pallas import tpu_sc as plsc

_NA = 64
_ND = 4096
_NQ = 1024
_RB = 512
_CB = 512
_LANES = 16

_CHUNK = 128
_SC_ROWS = 512
_WPC = 8
_TPW = _NA // _WPC
_TC_DROWS = _ND - _SC_ROWS


def _logits_body(x_ref, w_ref, b_ref, out_ref):
    lt = jax.lax.dot_general(
        w_ref[...], x_ref[...], (((1,), (1,)), ((), ())),
        preferred_element_type=jnp.float32)
    out_ref[...] = lt + b_ref[...]


def _tree_count(srcs, va):
    terms = [jnp.where(s > va, 1.0, 0.0) for s in srcs]
    while len(terms) > 1:
        nxt = [terms[i] + terms[i + 1] for i in range(0, len(terms) - 1, 2)]
        if len(terms) % 2:
            nxt.append(terms[-1])
        terms = nxt
    return terms[0]


def _sc_rank_body(lt_hbm, out_hbm, lt_v, rk_v):
    c = jax.lax.axis_index("c")
    s = jax.lax.axis_index("s")
    wid = s * 2 + c
    chunk = wid // _WPC
    tbase = (wid % _WPC) * _TPW
    cbase = pl.multiple_of(chunk * _CHUNK, _CHUNK)
    pltpu.sync_copy(lt_hbm.at[:, pl.ds(cbase, _CHUNK)], lt_v)

    def group(g, carry):
        col = g * _LANES

        def target(t, carry2):
            a = tbase + t
            va = lt_v[a, pl.ds(col, _LANES)]
            srcs = [lt_v[j, pl.ds(col, _LANES)] for j in range(_NA)]
            rk_v[t, pl.ds(col, _LANES)] = _tree_count(srcs, va) + 1.0
            return carry2

        jax.lax.fori_loop(0, _TPW, target, 0)
        return carry

    jax.lax.fori_loop(0, _CHUNK // _LANES, group, 0)
    rbase = pl.multiple_of(tbase, _TPW)
    pltpu.sync_copy(rk_v, out_hbm.at[pl.ds(rbase, _TPW), pl.ds(cbase, _CHUNK)])


def _sc_ranks(lt):
    mesh = plsc.VectorSubcoreMesh(core_axis_name="c", subcore_axis_name="s")
    return pl.kernel(
        _sc_rank_body,
        out_type=jax.ShapeDtypeStruct((_NA, _SC_ROWS), jnp.float32),
        mesh=mesh,
        scratch_types=[
            pltpu.VMEM((_NA, _CHUNK), jnp.float32),
            pltpu.VMEM((_TPW, _CHUNK), jnp.float32),
        ],
    )(lt)


def _rank_fused_body(q_ref, d_ref, w_ref, b_ref, out_ref):
    i = pl.program_id(0)
    x = jnp.where(i < _NQ // _RB, q_ref[...], d_ref[...])
    lt = jax.lax.dot_general(
        w_ref[...], x, (((1,), (1,)), ((), ())),
        preferred_element_type=jnp.float32)
    lt = lt + b_ref[...]
    rank = jnp.ones(lt.shape, jnp.float32)
    for a in range(_NA):
        rank += (lt[a:a + 1, :] > lt).astype(jnp.float32)
    out_ref[...] = rank.astype(jnp.bfloat16)


def _mm_body(q_ref, dsc_ref, dtc_ref, out_ref):
    j = pl.program_id(0)
    d = jnp.where(j < _SC_ROWS // _CB,
                  dsc_ref[...].astype(jnp.bfloat16), dtc_ref[...])
    out_ref[...] = jax.lax.dot_general(
        q_ref[...], d, (((0,), (0,)), ((), ())),
        preferred_element_type=jnp.float32)


def kernel(data, query, W, b):
    with jax.enable_x64(False):
        return _kernel32(data, query, W, b)


def _kernel32(data, query, W, b):
    b2 = b.reshape(_NA, 1)
    lt_sc = pl.pallas_call(
        _logits_body,
        grid=(1,),
        in_specs=[
            pl.BlockSpec((_SC_ROWS, 128), lambda i: (0, 0)),
            pl.BlockSpec((_NA, 128), lambda i: (0, 0)),
            pl.BlockSpec((_NA, 1), lambda i: (0, 0)),
        ],
        out_specs=pl.BlockSpec((_NA, _SC_ROWS), lambda i: (0, 0)),
        out_shape=jax.ShapeDtypeStruct((_NA, _SC_ROWS), jnp.float32),
    )(data, W, b2)
    ranks_sc = _sc_ranks(lt_sc)
    ranks_tc = pl.pallas_call(
        _rank_fused_body,
        grid=((_NQ + _TC_DROWS) // _RB,),
        in_specs=[
            pl.BlockSpec((_RB, 128), lambda i: (jnp.minimum(i, 1), 0)),
            pl.BlockSpec(
                (_RB, 128),
                lambda i: (jnp.clip(i - _NQ // _RB + _SC_ROWS // _RB,
                                    _SC_ROWS // _RB, _ND // _RB - 1), 0)),
            pl.BlockSpec((_NA, 128), lambda i: (0, 0)),
            pl.BlockSpec((_NA, 1), lambda i: (0, 0)),
        ],
        out_specs=pl.BlockSpec((_NA, _RB), lambda i: (0, i)),
        out_shape=jax.ShapeDtypeStruct(
            (_NA, _NQ + _TC_DROWS), jnp.bfloat16),
    )(query, data, W, b2)
    out = pl.pallas_call(
        _mm_body,
        grid=(_ND // _CB,),
        in_specs=[
            pl.BlockSpec((_NA, _NQ), lambda j: (0, 0)),
            pl.BlockSpec(
                (_NA, _CB),
                lambda j: (0, jnp.minimum(j, _SC_ROWS // _CB - 1))),
            pl.BlockSpec(
                (_NA, _CB),
                lambda j: (0, jnp.maximum(j + (_NQ - _SC_ROWS) // _CB,
                                          _NQ // _CB))),
        ],
        out_specs=pl.BlockSpec((_NQ, _CB), lambda j: (0, j)),
        out_shape=jax.ShapeDtypeStruct((_NQ, _ND), jnp.float32),
    )(ranks_tc, ranks_sc, ranks_tc)
    return out

# --- scband reference (transcript-rebuilt; emitter-appended) ---
"""Pipeline reference for scband-anchor-net-13099650253442 (READ-ONLY COPY).

The authoritative reference and input builder live on the scoring server;
editing this copy changes nothing except your own understanding.
"""

import jax, jax.numpy as jnp
import numpy as np
from jax import lax

jax.config.update("jax_enable_x64", True)

REG = 1e-06  # torchsort regularization_strength used in the original module


def _iso_nondec(y):
    # Exact L2 isotonic regression (non-decreasing) per row via the min-max formula:
    # v_i = max_{j<=i} min_{k>=i} mean(y[j..k]). Gradient matches block-averaging Jacobian.
    R, n = y.shape
    c = jnp.concatenate([jnp.zeros((R, 1), y.dtype), jnp.cumsum(y, axis=1)], axis=1)
    ar = jnp.arange(n)
    # sums[r, j, k] = sum(y[r, j..k]) = c[r, k+1] - c[r, j]
    sums = c[:, 1:][:, None, :] - c[:, :-1][:, :, None]
    lengths = (ar[None, :] - ar[:, None] + 1).astype(y.dtype)  # [j, k] = k - j + 1
    valid = ar[None, :] >= ar[:, None]
    M = jnp.where(valid[None, :, :], sums / jnp.where(valid, lengths, 1.0)[None, :, :], jnp.inf)
    # Tmin[r, j, i] = min_{k >= i} M[r, j, k]
    Tmin = lax.cummin(M, axis=2, reverse=True)
    jj = jnp.arange(n)[:, None]
    ii = jnp.arange(n)[None, :]
    Tm = jnp.where((jj <= ii)[None, :, :], Tmin, -jnp.inf)
    # V[r, j, i] = max_{j' <= j} Tm[r, j', i]; solution v_i = V[r, i, i]
    V = lax.cummax(Tm, axis=1)
    return jnp.diagonal(V, axis1=1, axis2=2)


def _soft_rank_ascending(x):
    # Faithful torchsort.soft_rank(x, regularization_strength=REG) (L2 reg, ascending):
    # projection of x/eps onto the permutahedron of (1..n) via sort + isotonic regression
    # (Blondel et al., Fast Differentiable Sorting and Ranking). float64 internally to
    # survive the s - v cancellation at eps = 1e-6.
    x64 = x.astype(jnp.float64)
    R, n = x64.shape
    theta = x64 / REG
    chunk = next(c for c in range(min(R, 256), 0, -1) if R % c == 0)

    def _rows(t):
        perm = jnp.argsort(-t, axis=1)  # descending
        s = jnp.take_along_axis(t, perm, axis=1)
        w = jnp.arange(n, 0, -1, dtype=t.dtype)
        y = s - w[None, :]
        v = -_iso_nondec(-y)  # non-increasing isotonic regression of y
        proj_sorted = s - v
        inv = jnp.argsort(perm, axis=1)
        return jnp.take_along_axis(proj_sorted, inv, axis=1)

    out = lax.map(_rows, theta.reshape(R // chunk, chunk, n))
    return out.reshape(R, n)


def soft_rank(array):
    # module helper: torchsort.soft_rank(-1 * array, regularization_strength=1e-06)
    return _soft_rank_ascending(-array)


def setup_inputs(seed: int = 0) -> dict:
    key = jax.random.key(seed)
    k1, k2, k3, k4 = jax.random.split(key, 4)
    data = jax.random.normal(k1, (4096, 128), dtype=jnp.float32)
    query = jax.random.normal(k2, (1024, 128), dtype=jnp.float32)
    # anchors = nn.Linear(out=128, num_anchs=64)
    bound = 1.0 / np.sqrt(128.0)
    W = jax.random.uniform(k3, (64, 128), dtype=jnp.float32, minval=-bound, maxval=bound)
    b = jax.random.uniform(k4, (64,), dtype=jnp.float32, minval=-bound, maxval=bound)
    return {"data": data, "query": query, "W": W, "b": b}


def reference(data, query, W, b):
    d_logits = data @ W.T + b
    q_logits = query @ W.T + b
    data_rank = soft_rank(d_logits)
    query_rank = soft_rank(q_logits)
    out = jnp.matmul(query_rank, data_rank.T)
    return out.astype(jnp.float32)

if __name__ == "__main__":
    import jax
    _d = setup_inputs()
    print(jax.jit(kernel)(*tuple(_d.values())))

</pallas_src>

<mosaic_0001>
#map = affine_map<(d0, d1) -> (0, 0)>
module attributes {stable_mosaic.version = 14 : i64} {
  func.func @_sc_rank_body(%arg0: i32, %arg1: i32, %arg2: memref<64x512xf32, #tpu.memory_space<hbm>>, %arg3: memref<64x512xf32, #tpu.memory_space<hbm>>, %arg4: memref<64x128xf32, #tpu.memory_space<vmem>>, %arg5: memref<8x128xf32, #tpu.memory_space<vmem>>) attributes {dimension_semantics = [#tpu.dimension_semantics<core_parallel>, #tpu.dimension_semantics<subcore_parallel>], iteration_bounds = array<i64: 2, 16>, scalar_prefetch = 0 : i64, scratch_operands = 2 : i64, tpu.core_type = #tpu.core_type<sc_vector_subcore>, window_params = [{transform_indices = #map}, {transform_indices = #map}]} {
    %mul3A = arith.constant 2 : i32
    %mul3A_0 = arith.muli %arg1, %mul3A : i32
    %add3A = arith.addi %mul3A_0, %arg0 : i32
    %jit3A = arith.constant 8 : i32
    %div3A = arith.divsi %add3A, %jit3A : i32
    %sign3A = arith.constant 0 : i32
    %sign3A_1 = arith.cmpi sgt, %add3A, %sign3A : i32
    %sign3A_2 = arith.extui %sign3A_1 : i1 to i32
    %sign3A_3 = arith.constant 0 : i32
    %sign3A_4 = arith.cmpi slt, %add3A, %sign3A_3 : i32
    %sign3A_5 = arith.extui %sign3A_4 : i1 to i32
    %sign3A_6 = arith.subi %sign3A_2, %sign3A_5 : i32
    %sign3A_7 = arith.constant 0 : i32
    %sign3A_8 = arith.cmpi sgt, %jit3A, %sign3A_7 : i32
    %sign3A_9 = arith.extui %sign3A_8 : i1 to i32
    %sign3A_10 = arith.constant 0 : i32
    %sign3A_11 = arith.cmpi slt, %jit3A, %sign3A_10 : i32
    %sign3A_12 = arith.extui %sign3A_11 : i1 to i32
    %sign3A_13 = arith.subi %sign3A_9, %sign3A_12 : i32
    %ne3A = arith.cmpi ne, %sign3A_6, %sign3A_13 : i32
    %rem3A = arith.remsi %add3A, %jit3A : i32
    %ne3A_14 = arith.constant 0 : i32
    %ne3A_15 = arith.cmpi ne, %rem3A, %ne3A_14 : i32
    %and3A = arith.andi %ne3A, %ne3A_15 : i1
    %sub3A = arith.constant 1 : i32
    %sub3A_16 = arith.subi %div3A, %sub3A : i32
    %select_n3A = arith.select %and3A, %sub3A_16, %div3A : i32
    %jit3A_17 = arith.constant 8 : i32
    %eq3A = arith.constant 0 : i32
    %eq3A_18 = arith.cmpi eq, %jit3A_17, %eq3A : i32
    %jit3A_19 = arith.constant 1 : i32
    %select_n3A_20 = arith.select %eq3A_18, %jit3A_19, %jit3A_17 : i32
    %rem3A_21 = arith.remsi %add3A, %select_n3A_20 : i32
    %ne3A_22 = arith.constant 0 : i32
    %ne3A_23 = arith.cmpi ne, %rem3A_21, %ne3A_22 : i32
    %lt3A = arith.constant 0 : i32
    %lt3A_24 = arith.cmpi slt, %rem3A_21, %lt3A : i32
    %lt3A_25 = arith.constant 0 : i32
    %lt3A_26 = arith.cmpi slt, %select_n3A_20, %lt3A_25 : i32
    %ne3A_27 = arith.xori %lt3A_24, %lt3A_26 : i1
    %and3A_28 = arith.andi %ne3A_27, %ne3A_23 : i1
    %add3A_29 = arith.addi %rem3A_21, %select_n3A_20 : i32
    %select_n3A_30 = arith.select %and3A_28, %add3A_29, %rem3A_21 : i32
    %mul3A_31 = arith.constant 8 : i32
    %mul3A_32 = arith.muli %select_n3A_30, %mul3A_31 : i32
    %mul3A_33 = arith.constant 128 : i32
    %mul3A_34 = arith.muli %select_n3A, %mul3A_33 : i32
    %multiple_of3A = tpu.assume_multiple %mul3A_34, 128 : i32
    "tpu.region"() ({
      %run_scoped3A = tpu.sem_alloc : memref<!tpu.dma_semaphore, #tpu.memory_space<semaphore_mem>>
      %dma_start3A = arith.constant 0 : i32
      %dma_start3A_41 = tpu.memref_slice %arg2[%dma_start3A, %multiple_of3A] : memref<64x512xf32, #tpu.memory_space<hbm>> -> memref<64x128xf32, #tpu.memory_space<hbm>>
      %dma_start3A_42 = arith.constant 0 : i32
      %dma_start3A_43 = tpu.memref_slice %arg2[%dma_start3A_42, %multiple_of3A] : memref<64x512xf32, #tpu.memory_space<hbm>> -> memref<64x128xf32, #tpu.memory_space<hbm>>
      tpu.enqueue_dma source(%dma_start3A_43 : memref<64x128xf32, #tpu.memory_space<hbm>>) target(%arg4 : memref<64x128xf32, #tpu.memory_space<vmem>>) target_semaphore(%run_scoped3A : memref<!tpu.dma_semaphore, #tpu.memory_space<semaphore_mem>>)
      %dma_wait3A = arith.constant 0 : i32
      %dma_wait3A_44 = tpu.memref_slice %arg2[%dma_wait3A, %multiple_of3A] : memref<64x512xf32, #tpu.memory_space<hbm>> -> memref<64x128xf32, #tpu.memory_space<hbm>>
      %dma_wait3A_45 = arith.constant 0 : i32
      %dma_wait3A_46 = tpu.memref_slice %arg2[%dma_wait3A_45, %multiple_of3A] : memref<64x512xf32, #tpu.memory_space<hbm>> -> memref<64x128xf32, #tpu.memory_space<hbm>>
      tpu.wait_dma2 semaphore(%run_scoped3A : memref<!tpu.dma_semaphore, #tpu.memory_space<semaphore_mem>>) src(%dma_wait3A_46 : memref<64x128xf32, #tpu.memory_space<hbm>>) dst(%arg4 : memref<64x128xf32, #tpu.memory_space<vmem>>)
      tpu.yield
    }) : () -> ()
    %scan3A = arith.constant 0 : i32
    %scan3A_35 = arith.constant 0 : i32
    %scan3A_36 = arith.constant 8 : i32
    %scan3A_37 = arith.addi %scan3A_35, %scan3A_36 : i32
    %scan3A_38 = arith.constant 1 : i32
    scf.for %scan3A_41 = %scan3A_35 to %scan3A_37 step %scan3A_38  : i32 {
      %mul3A_42 = arith.constant 16 : i32
      %mul3A_43 = arith.muli %scan3A_41, %mul3A_42 : i32
      %scan3A_44 = arith.constant 0 : i32
      %scan3A_45 = arith.constant 0 : i32
      %scan3A_46 = arith.constant 8 : i32
      %scan3A_47 = arith.addi %scan3A_45, %scan3A_46 : i32
      %scan3A_48 = arith.constant 1 : i32
      scf.for %scan3A_50 = %scan3A_45 to %scan3A_47 step %scan3A_48  : i32 {
        %add3A_51 = arith.addi %mul3A_32, %scan3A_50 : i32
        %get3A = arith.index_cast %add3A_51 : i32 to index
        %get3A_52 = arith.index_cast %mul3A_43 : i32 to index
        %get3A_53 = tpu.vector_load %arg4[%get3A, %get3A_52] {strides = array<i32>} : memref<64x128xf32, #tpu.memory_space<vmem>>, vector<1x16xf32>,
        %get3A_54 = vector.shape_cast %get3A_53 : vector<1x16xf32> to vector<16xf32>
        %get3A_55 = arith.constant 0 : i32
        %get3A_56 = arith.index_cast %get3A_55 : i32 to index
        %get3A_57 = arith.index_cast %mul3A_43 : i32 to index
        %get3A_58 = tpu.vector_load %arg4[%get3A_56, %get3A_57] {strides = array<i32>} : memref<64x128xf32, #tpu.memory_space<vmem>>, vector<1x16xf32>,
        %get3A_59 = vector.shape_cast %get3A_58 : vector<1x16xf32> to vector<16xf32>
        %get3A_60 = arith.constant 1 : i32
        %get3A_61 = arith.index_cast %get3A_60 : i32 to index
        %get3A_62 = arith.index_cast %mul3A_43 : i32 to index
        %get3A_63 = tpu.vector_load %arg4[%get3A_61, %get3A_62] {strides = array<i32>} : memref<64x128xf32, #tpu.memory_space<vmem>>, vector<1x16xf32>,
        %get3A_64 = vector.shape_cast %get3A_63 : vector<1x16xf32> to vector<16xf32>
        %get3A_65 = arith.constant 2 : i32
        %get3A_66 = arith.index_cast %get3A_65 : i32 to index
        %get3A_67 = arith.index_cast %mul3A_43 : i32 to index
        %get3A_68 = tpu.vector_load %arg4[%get3A_66, %get3A_67] {strides = array<i32>} : memref<64x128xf32, #tpu.memory_space<vmem>>, vector<1x16xf32>,
        %get3A_69 = vector.shape_cast %get3A_68 : vector<1x16xf32> to vector<16xf32>
        %get3A_70 = arith.constant 3 : i32
        %get3A_71 = arith.index_cast %get3A_70 : i32 to index
        %get3A_72 = arith.index_cast %mul3A_43 : i32 to index
        %get3A_73 = tpu.vector_load %arg4[%get3A_71, %get3A_72] {strides = array<i32>} : memref<64x128xf32, #tpu.memory_space<vmem>>, vector<1x16xf32>,
        %get3A_74 = vector.shape_cast %get3A_73 : vector<1x16xf32> to vector<16xf32>
        %get3A_75 = arith.constant 4 : i32
        %get3A_76 = arith.index_cast %get3A_75 : i32 to index
        %get3A_77 = arith.index_cast %mul3A_43 : i32 to index
        %get3A_78 = tpu.vector_load %arg4[%get3A_76, %get3A_77] {strides = array<i32>} : memref<64x128xf32, #tpu.memory_space<vmem>>, vector<1x16xf32>,
        %get3A_79 = vector.shape_cast %get3A_78 : vector<1x16xf32> to vector<16xf32>
        %get3A_80 = arith.constant 5 : i32
        %get3A_81 = arith.index_cast %get3A_80 : i32 to index
        %get3A_82 = arith.index_cast %mul3A_43 : i32 to index
        %get3A_83 = tpu.vector_load %arg4[%get3A_81, %get3A_82] {strides = array<i32>} : memref<64x128xf32, #tpu.memory_space<vmem>>, vector<1x16xf32>,
        %get3A_84 = vector.shape_cast %get3A_83 : vector<1x16xf32> to vector<16xf32>
        %get3A_85 = arith.constant 6 : i32
        %get3A_86 = arith.index_cast %get3A_85 : i32 to index
        %get3A_87 = arith.index_cast %mul3A_43 : i32 to index
        %get3A_88 = tpu.vector_load %arg4[%get3A_86, %get3A_87] {strides = array<i32>} : memref<64x128xf32, #tpu.memory_space<vmem>>, vector<1x16xf32>,
        %get3A_89 = vector.shape_cast %get3A_88 : vector<1x16xf32> to vector<16xf32>
        %get3A_90 = arith.constant 7 : i32
        %get3A_91 = arith.index_cast %get3A_90 : i32 to index
        %get3A_92 = arith.index_cast %mul3A_43 : i32 to index
        %get3A_93 = tpu.vector_load %arg4[%get3A_91, %get3A_92] {strides = array<i32>} : memref<64x128xf32, #tpu.memory_space<vmem>>, vector<1x16xf32>,
        %get3A_94 = vector.shape_cast %get3A_93 : vector<1x16xf32> to vector<16xf32>
        %get3A_95 = arith.constant 8 : i32
        %get3A_96 = arith.index_cast %get3A_95 : i32 to index
        %get3A_97 = arith.index_cast %mul3A_43 : i32 to index
        %get3A_98 = tpu.vector_load %arg4[%get3A_96, %get3A_97] {strides = array<i32>} : memref<64x128xf32, #tpu.memory_space<vmem>>, vector<1x16xf32>,
        %get3A_99 = vector.shape_cast %get3A_98 : vector<1x16xf32> to vector<16xf32>
        %get3A_100 = arith.constant 9 : i32
        %get3A_101 = arith.index_cast %get3A_100 : i32 to index
        %get3A_102 = arith.index_cast %mul3A_43 : i32 to index
        %get3A_103 = tpu.vector_load %arg4[%get3A_101, %get3A_102] {strides = array<i32>} : memref<64x128xf32, #tpu.memory_space<vmem>>, vector<1x16xf32>,
        %get3A_104 = vector.shape_cast %get3A_103 : vector<1x16xf32> to vector<16xf32>
        %get3A_105 = arith.constant 10 : i32
        %get3A_106 = arith.index_cast %get3A_105 : i32 to index
        %get3A_107 = arith.index_cast %mul3A_43 : i32 to index
        %get3A_108 = tpu.vector_load %arg4[%get3A_106, %get3A_107] {strides = array<i32>} : memref<64x128xf32, #tpu.memory_space<vmem>>, vector<1x16xf32>,
        %get3A_109 = vector.shape_cast %get3A_108 : vector<1x16xf32> to vector<16xf32>
        %get3A_110 = arith.constant 11 : i32
        %get3A_111 = arith.index_cast %get3A_110 : i32 to index
        %get3A_112 = arith.index_cast %mul3A_43 : i32 to index
        %get3A_113 = tpu.vector_load %arg4[%get3A_111, %get3A_112] {strides = array<i32>} : memref<64x128xf32, #tpu.memory_space<vmem>>, vector<1x16xf32>,
        %get3A_114 = vector.shape_cast %get3A_113 : vector<1x16xf32> to vector<16xf32>
        %get3A_115 = arith.constant 12 : i32
        %get3A_116 = arith.index_cast %get3A_115 : i32 to index
        %get3A_117 = arith.index_cast %mul3A_43 : i32 to index
        %get3A_118 = tpu.vector_load %arg4[%get3A_116, %get3A_117] {strides = array<i32>} : memref<64x128xf32, #tpu.memory_space<vmem>>, vector<1x16xf32>,
        %get3A_119 = vector.shape_cast %get3A_118 : vector<1x16xf32> to vector<16xf32>
        %get3A_120 = arith.constant 13 : i32
        %get3A_121 = arith.index_cast %get3A_120 : i32 to index
        %get3A_122 = arith.index_cast %mul3A_43 : i32 to index
        %get3A_123 = tpu.vector_load %arg4[%get3A_121, %get3A_122] {strides = array<i32>} : memref<64x128xf32, #tpu.memory_space<vmem>>, vector<1x16xf32>,
        %get3A_124 = vector.shape_cast %get3A_123 : vector<1x16xf32> to vector<16xf32>
        %get3A_125 = arith.constant 14 : i32
        %get3A_126 = arith.index_cast %get3A_125 : i32 to index
        %get3A_127 = arith.index_cast %mul3A_43 : i32 to index
        %get3A_128 = tpu.vector_load %arg4[%get3A_126, %get3A_127] {strides = array<i32>} : memref<64x128xf32, #tpu.memory_space<vmem>>, vector<1x16xf32>,
        %get3A_129 = vector.shape_cast %get3A_128 : vector<1x16xf32> to vector<16xf32>
        %get3A_130 = arith.constant 15 : i32
        %get3A_131 = arith.index_cast %get3A_130 : i32 to index
        %get3A_132 = arith.index_cast %mul3A_43 : i32 to index
        %get3A_133 = tpu.vector_load %arg4[%get3A_131, %get3A_132] {strides = array<i32>} : memref<64x128xf32, #tpu.memory_space<vmem>>, vector<1x16xf32>,
        %get3A_134 = vector.shape_cast %get3A_133 : vector<1x16xf32> to vector<16xf32>
        %get3A_135 = arith.constant 16 : i32
        %get3A_136 = arith.index_cast %get3A_135 : i32 to index
        %get3A_137 = arith.index_cast %mul3A_43 : i32 to index
        %get3A_138 = tpu.vector_load %arg4[%get3A_136, %get3A_137] {strides = array<i32>} : memref<64x128xf32, #tpu.memory_space<vmem>>, vector<1x16xf32>,
        %get3A_139 = vector.shape_cast %get3A_138 : vector<1x16xf32> to vector<16xf32>
        %get3A_140 = arith.constant 17 : i32
        %get3A_141 = arith.index_cast %get3A_140 : i32 to index
        %get3A_142 = arith.index_cast %mul3A_43 : i32 to index
        %get3A_143 = tpu.vector_load %arg4[%get3A_141, %get3A_142] {strides = array<i32>} : memref<64x128xf32, #tpu.memory_space<vmem>>, vector<1x16xf32>,
        %get3A_144 = vector.shape_cast %get3A_143 : vector<1x16xf32> to vector<16xf32>
        %get3A_145 = arith.constant 18 : i32
        %get3A_146 = arith.index_cast %get3A_145 : i32 to index
        %get3A_147 = arith.index_cast %mul3A_43 : i32 to index
        %get3A_148 = tpu.vector_load %arg4[%get3A_146, %get3A_147] {strides = array<i32>} : memref<64x128xf32, #tpu.memory_space<vmem>>, vector<1x16xf32>,
        %get3A_149 = vector.shape_cast %get3A_148 : vector<1x16xf32> to vector<16xf32>
        %get3A_150 = arith.constant 19 : i32
        %get3A_151 = arith.index_cast %get3A_150 : i32 to index
        %get3A_152 = arith.index_cast %mul3A_43 : i32 to index
        %get3A_153 = tpu.vector_load %arg4[%get3A_151, %get3A_152] {strides = array<i32>} : memref<64x128xf32, #tpu.memory_space<vmem>>, vector<1x16xf32>,
        %get3A_154 = vector.shape_cast %get3A_153 : vector<1x16xf32> to vector<16xf32>
        %get3A_155 = arith.constant 20 : i32
        %get3A_156 = arith.index_cast %get3A_155 : i32 to index
        %get3A_157 = arith.index_cast %mul3A_43 : i32 to index
        %get3A_158 = tpu.vector_load %arg4[%get3A_156, %get3A_157] {strides = array<i32>} : memref<64x128xf32, #tpu.memory_space<vmem>>, vector<1x16xf32>,
        %get3A_159 = vector.shape_cast %get3A_158 : vector<1x16xf32> to vector<16xf32>
        %get3A_160 = arith.constant 21 : i32
        %get3A_161 = arith.index_cast %get3A_160 : i32 to index
        %get3A_162 = arith.index_cast %mul3A_43 : i32 to index
        %get3A_163 = tpu.vector_load %arg4[%get3A_161, %get3A_162] {strides = array<i32>} : memref<64x128xf32, #tpu.memory_space<vmem>>, vector<1x16xf32>,
        %get3A_164 = vector.shape_cast %get3A_163 : vector<1x16xf32> to vector<16xf32>
        %get3A_165 = arith.constant 22 : i32
        %get3A_166 = arith.index_cast %get3A_165 : i32 to index
        %get3A_167 = arith.index_cast %mul3A_43 : i32 to index
        %get3A_168 = tpu.vector_load %arg4[%get3A_166, %get3A_167] {strides = array<i32>} : memref<64x128xf32, #tpu.memory_space<vmem>>, vector<1x16xf32>,
        %get3A_169 = vector.shape_cast %get3A_168 : vector<1x16xf32> to vector<16xf32>
        %get3A_170 = arith.constant 23 : i32
        %get3A_171 = arith.index_cast %get3A_170 : i32 to index
        %get3A_172 = arith.index_cast %mul3A_43 : i32 to index
        %get3A_173 = tpu.vector_load %arg4[%get3A_171, %get3A_172] {strides = array<i32>} : memref<64x128xf32, #tpu.memory_space<vmem>>, vector<1x16xf32>,
        %get3A_174 = vector.shape_cast %get3A_173 : vector<1x16xf32> to vector<16xf32>
        %get3A_175 = arith.constant 24 : i32
        %get3A_176 = arith.index_cast %get3A_175 : i32 to index
        %get3A_177 = arith.index_cast %mul3A_43 : i32 to index
        %get3A_178 = tpu.vector_load %arg4[%get3A_176, %get3A_177] {strides = array<i32>} : memref<64x128xf32, #tpu.memory_space<vmem>>, vector<1x16xf32>,
        %get3A_179 = vector.shape_cast %get3A_178 : vector<1x16xf32> to vector<16xf32>
        %get3A_180 = arith.constant 25 : i32
        %get3A_181 = arith.index_cast %get3A_180 : i32 to index
        %get3A_182 = arith.index_cast %mul3A_43 : i32 to index
        %get3A_183 = tpu.vector_load %arg4[%get3A_181, %get3A_182] {strides = array<i32>} : memref<64x128xf32, #tpu.memory_space<vmem>>, vector<1x16xf32>,
        %get3A_184 = vector.shape_cast %get3A_183 : vector<1x16xf32> to vector<16xf32>
        %get3A_185 = arith.constant 26 : i32
        %get3A_186 = arith.index_cast %get3A_185 : i32 to index
        %get3A_187 = arith.index_cast %mul3A_43 : i32 to index
        %get3A_188 = tpu.vector_load %arg4[%get3A_186, %get3A_187] {strides = array<i32>} : memref<64x128xf32, #tpu.memory_space<vmem>>, vector<1x16xf32>,
        %get3A_189 = vector.shape_cast %get3A_188 : vector<1x16xf32> to vector<16xf32>
        %get3A_190 = arith.constant 27 : i32
        %get3A_191 = arith.index_cast %get3A_190 : i32 to index
        %get3A_192 = arith.index_cast %mul3A_43 : i32 to index
        %get3A_193 = tpu.vector_load %arg4[%get3A_191, %get3A_192] {strides = array<i32>} : memref<64x128xf32, #tpu.memory_space<vmem>>, vector<1x16xf32>,
        %get3A_194 = vector.shape_cast %get3A_193 : vector<1x16xf32> to vector<16xf32>
        %get3A_195 = arith.constant 28 : i32
        %get3A_196 = arith.index_cast %get3A_195 : i32 to index
        %get3A_197 = arith.index_cast %mul3A_43 : i32 to index
        %get3A_198 = tpu.vector_load %arg4[%get3A_196, %get3A_197] {strides = array<i32>} : memref<64x128xf32, #tpu.memory_space<vmem>>, vector<1x16xf32>,
        %get3A_199 = vector.shape_cast %get3A_198 : vector<1x16xf32> to vector<16xf32>
        %get3A_200 = arith.constant 29 : i32
        %get3A_201 = arith.index_cast %get3A_200 : i32 to index
        %get3A_202 = arith.index_cast %mul3A_43 : i32 to index
        %get3A_203 = tpu.vector_load %arg4[%get3A_201, %get3A_202] {strides = array<i32>} : memref<64x128xf32, #tpu.memory_space<vmem>>, vector<1x16xf32>,
        %get3A_204 = vector.shape_cast %get3A_203 : vector<1x16xf32> to vector<16xf32>
        %get3A_205 = arith.constant 30 : i32
        %get3A_206 = arith.index_cast %get3A_205 : i32 to index
        %get3A_207 = arith.index_cast %mul3A_43 : i32 to index
        %get3A_208 = tpu.vector_load %arg4[%get3A_206, %get3A_207] {strides = array<i32>} : memref<64x128xf32, #tpu.memory_space<vmem>>, vector<1x16xf32>,
        %get3A_209 = vector.shape_cast %get3A_208 : vector<1x16xf32> to vector<16xf32>
        %get3A_210 = arith.constant 31 : i32
        %get3A_211 = arith.index_cast %get3A_210 : i32 to index
        %get3A_212 = arith.index_cast %mul3A_43 : i32 to index
        %get3A_213 = tpu.vector_load %arg4[%get3A_211, %get3A_212] {strides = array<i32>} : memref<64x128xf32, #tpu.memory_space<vmem>>, vector<1x16xf32>,
        %get3A_214 = vector.shape_cast %get3A_213 : vector<1x16xf32> to vector<16xf32>
        %get3A_215 = arith.constant 32 : i32
        %get3A_216 = arith.index_cast %get3A_215 : i32 to index
        %get3A_217 = arith.index_cast %mul3A_43 : i32 to index
        %get3A_218 = tpu.vector_load %arg4[%get3A_216, %get3A_217] {strides = array<i32>} : memref<64x128xf32, #tpu.memory_space<vmem>>, vector<1x16xf32>,
        %get3A_219 = vector.shape_cast %get3A_218 : vector<1x16xf32> to vector<16xf32>
        %get3A_220 = arith.constant 33 : i32
        %get3A_221 = arith.index_cast %get3A_220 : i32 to index
        %get3A_222 = arith.index_cast %mul3A_43 : i32 to index
        %get3A_223 = tpu.vector_load %arg4[%get3A_221, %get3A_222] {strides = array<i32>} : memref<64x128xf32, #tpu.memory_space<vmem>>, vector<1x16xf32>,
        %get3A_224 = vector.shape_cast %get3A_223 : vector<1x16xf32> to vector<16xf32>
        %get3A_225 = arith.constant 34 : i32
        %get3A_226 = arith.index_cast %get3A_225 : i32 to index
        %get3A_227 = arith.index_cast %mul3A_43 : i32 to index
        %get3A_228 = tpu.vector_load %arg4[%get3A_226, %get3A_227] {strides = array<i32>} : memref<64x128xf32, #tpu.memory_space<vmem>>, vector<1x16xf32>,
        %get3A_229 = vector.shape_cast %get3A_228 : vector<1x16xf32> to vector<16xf32>
        %get3A_230 = arith.constant 35 : i32
        %get3A_231 = arith.index_cast %get3A_230 : i32 to index
        %get3A_232 = arith.index_cast %mul3A_43 : i32 to index
        %get3A_233 = tpu.vector_load %arg4[%get3A_231, %get3A_232] {strides = array<i32>} : memref<64x128xf32, #tpu.memory_space<vmem>>, vector<1x16xf32>,
        %get3A_234 = vector.shape_cast %get3A_233 : vector<1x16xf32> to vector<16xf32>
        %get3A_235 = arith.constant 36 : i32
        %get3A_236 = arith.index_cast %get3A_235 : i32 to index
        %get3A_237 = arith.index_cast %mul3A_43 : i32 to index
        %get3A_238 = tpu.vector_load %arg4[%get3A_236, %get3A_237] {strides = array<i32>} : memref<64x128xf32, #tpu.memory_space<vmem>>, vector<1x16xf32>,
        %get3A_239 = vector.shape_cast %get3A_238 : vector<1x16xf32> to vector<16xf32>
        %get3A_240 = arith.constant 37 : i32
        %get3A_241 = arith.index_cast %get3A_240 : i32 to index
        %get3A_242 = arith.index_cast %mul3A_43 : i32 to index
        %get3A_243 = tpu.vector_load %arg4[%get3A_241, %get3A_242] {strides = array<i32>} : memref<64x128xf32, #tpu.memory_space<vmem>>, vector<1x16xf32>,
        %get3A_244 = vector.shape_cast %get3A_243 : vector<1x16xf32> to vector<16xf32>
        %get3A_245 = arith.constant 38 : i32
        %get3A_246 = arith.index_cast %get3A_245 : i32 to index
        %get3A_247 = arith.index_cast %mul3A_43 : i32 to index
        %get3A_248 = tpu.vector_load %arg4[%get3A_246, %get3A_247] {strides = array<i32>} : memref<64x128xf32, #tpu.memory_space<vmem>>, vector<1x16xf32>,
        %get3A_249 = vector.shape_cast %get3A_248 : vector<1x16xf32> to vector<16xf32>
        %get3A_250 = arith.constant 39 : i32
        %get3A_251 = arith.index_cast %get3A_250 : i32 to index
        %get3A_252 = arith.index_cast %mul3A_43 : i32 to index
        %get3A_253 = tpu.vector_load %arg4[%get3A_251, %get3A_252] {strides = array<i32>} : memref<64x128xf32, #tpu.memory_space<vmem>>, vector<1x16xf32>,
        %get3A_254 = vector.shape_cast %get3A_253 : vector<1x16xf32> to vector<16xf32>
        %get3A_255 = arith.constant 40 : i32
        %get3A_256 = arith.index_cast %get3A_255 : i32 to index
        %get3A_257 = arith.index_cast %mul3A_43 : i32 to index
        %get3A_258 = tpu.vector_load %arg4[%get3A_256, %get3A_257] {strides = array<i32>} : memref<64x128xf32, #tpu.memory_space<vmem>>, vector<1x16xf32>,
        %get3A_259 = vector.shape_cast %get3A_258 : vector<1x16xf32> to vector<16xf32>
        %get3A_260 = arith.constant 41 : i32
        %get3A_261 = arith.index_cast %get3A_260 : i32 to index
        %get3A_262 = arith.index_cast %mul3A_43 : i32 to index
        %get3A_263 = tpu.vector_load %arg4[%get3A_261, %get3A_262] {strides = array<i32>} : memref<64x128xf32, #tpu.memory_space<vmem>>, vector<1x16xf32>,
        %get3A_264 = vector.shape_cast %get3A_263 : vector<1x16xf32> to vector<16xf32>
        %get3A_265 = arith.constant 42 : i32
        %get3A_266 = arith.index_cast %get3A_265 : i32 to index
        %get3A_267 = arith.index_cast %mul3A_43 : i32 to index
        %get3A_268 = tpu.vector_load %arg4[%get3A_266, %get3A_267] {strides = array<i32>} : memref<64x128xf32, #tpu.memory_space<vmem>>, vector<1x16xf32>,
        %get3A_269 = vector.shape_cast %get3A_268 : vector<1x16xf32> to vector<16xf32>
        %get3A_270 = arith.constant 43 : i32
        %get3A_271 = arith.index_cast %get3A_270 : i32 to index
        %get3A_272 = arith.index_cast %mul3A_43 : i32 to index
        %get3A_273 = tpu.vector_load %arg4[%get3A_271, %get3A_272] {strides = array<i32>} : memref<64x128xf32, #tpu.memory_space<vmem>>, vector<1x16xf32>,
        %get3A_274 = vector.shape_cast %get3A_273 : vector<1x16xf32> to vector<16xf32>
        %get3A_275 = arith.constant 44 : i32
        %get3A_276 = arith.index_cast %get3A_275 : i32 to index
        %get3A_277 = arith.index_cast %mul3A_43 : i32 to index
        %get3A_278 = tpu.vector_load %arg4[%get3A_276, %get3A_277] {strides = array<i32>} : memref<64x128xf32, #tpu.memory_space<vmem>>, vector<1x16xf32>,
        %get3A_279 = vector.shape_cast %get3A_278 : vector<1x16xf32> to vector<16xf32>
        %get3A_280 = arith.constant 45 : i32
        %get3A_281 = arith.index_cast %get3A_280 : i32 to index
        %get3A_282 = arith.index_cast %mul3A_43 : i32 to index
        %get3A_283 = tpu.vector_load %arg4[%get3A_281, %get3A_282] {strides = array<i32>} : memref<64x128xf32, #tpu.memory_space<vmem>>, vector<1x16xf32>,
        %get3A_284 = vector.shape_cast %get3A_283 : vector<1x16xf32> to vector<16xf32>
        %get3A_285 = arith.constant 46 : i32
        %get3A_286 = arith.index_cast %get3A_285 : i32 to index
        %get3A_287 = arith.index_cast %mul3A_43 : i32 to index
        %get3A_288 = tpu.vector_load %arg4[%get3A_286, %get3A_287] {strides = array<i32>} : memref<64x128xf32, #tpu.memory_space<vmem>>, vector<1x16xf32>,
        %get3A_289 = vector.shape_cast %get3A_288 : vector<1x16xf32> to vector<16xf32>
        %get3A_290 = arith.constant 47 : i32
        %get3A_291 = arith.index_cast %get3A_290 : i32 to index
        %get3A_292 = arith.index_cast %mul3A_43 : i32 to index
        %get3A_293 = tpu.vector_load %arg4[%get3A_291, %get3A_292] {strides = array<i32>} : memref<64x128xf32, #tpu.memory_space<vmem>>, vector<1x16xf32>,
        %get3A_294 = vector.shape_cast %get3A_293 : vector<1x16xf32> to vector<16xf32>
        %get3A_295 = arith.constant 48 : i32
        %get3A_296 = arith.index_cast %get3A_295 : i32 to index
        %get3A_297 = arith.index_cast %mul3A_43 : i32 to index
        %get3A_298 = tpu.vector_load %arg4[%get3A_296, %get3A_297] {strides = array<i32>} : memref<64x128xf32, #tpu.memory_space<vmem>>, vector<1x16xf32>,
        %get3A_299 = vector.shape_cast %get3A_298 : vector<1x16xf32> to vector<16xf32>
        %get3A_300 = arith.constant 49 : i32
        %get3A_301 = arith.index_cast %get3A_300 : i32 to index
        %get3A_302 = arith.index_cast %mul3A_43 : i32 to index
        %get3A_303 = tpu.vector_load %arg4[%get3A_301, %get3A_302] {strides = array<i32>} : memref<64x128xf32, #tpu.memory_space<vmem>>, vector<1x16xf32>,
        %get3A_304 = vector.shape_cast %get3A_303 : vector<1x16xf32> to vector<16xf32>
        %get3A_305 = arith.constant 50 : i32
        %get3A_306 = arith.index_cast %get3A_305 : i32 to index
        %get3A_307 = arith.index_cast %mul3A_43 : i32 to index
        %get3A_308 = tpu.vector_load %arg4[%get3A_306, %get3A_307] {strides = array<i32>} : memref<64x128xf32, #tpu.memory_space<vmem>>, vector<1x16xf32>,
        %get3A_309 = vector.shape_cast %get3A_308 : vector<1x16xf32> to vector<16xf32>
        %get3A_310 = arith.constant 51 : i32
        %get3A_311 = arith.index_cast %get3A_310 : i32 to index
        %get3A_312 = arith.index_cast %mul3A_43 : i32 to index
        %get3A_313 = tpu.vector_load %arg4[%get3A_311, %get3A_312] {strides = array<i32>} : memref<64x128xf32, #tpu.memory_space<vmem>>, vector<1x16xf32>,
        %get3A_314 = vector.shape_cast %get3A_313 : vector<1x16xf32> to vector<16xf32>
        %get3A_315 = arith.constant 52 : i32
        %get3A_316 = arith.index_cast %get3A_315 : i32 to index
        %get3A_317 = arith.index_cast %mul3A_43 : i32 to index
        %get3A_318 = tpu.vector_load %arg4[%get3A_316, %get3A_317] {strides = array<i32>} : memref<64x128xf32, #tpu.memory_space<vmem>>, vector<1x16xf32>,
        %get3A_319 = vector.shape_cast %get3A_318 : vector<1x16xf32> to vector<16xf32>
        %get3A_320 = arith.constant 53 : i32
        %get3A_321 = arith.index_cast %get3A_320 : i32 to index
        %get3A_322 = arith.index_cast %mul3A_43 : i32 to index
        %get3A_323 = tpu.vector_load %arg4[%get3A_321, %get3A_322] {strides = array<i32>} : memref<64x128xf32, #tpu.memory_space<vmem>>, vector<1x16xf32>,
        %get3A_324 = vector.shape_cast %get3A_323 : vector<1x16xf32> to vector<16xf32>
        %get3A_325 = arith.constant 54 : i32
        %get3A_326 = arith.index_cast %get3A_325 : i32 to index
        %get3A_327 = arith.index_cast %mul3A_43 : i32 to index
        %get3A_328 = tpu.vector_load %arg4[%get3A_326, %get3A_327] {strides = array<i32>} : memref<64x128xf32, #tpu.memory_space<vmem>>, vector<1x16xf32>,
        %get3A_329 = vector.shape_cast %get3A_328 : vector<1x16xf32> to vector<16xf32>
        %get3A_330 = arith.constant 55 : i32
        %get3A_331 = arith.index_cast %get3A_330 : i32 to index
        %get3A_332 = arith.index_cast %mul3A_43 : i32 to index
        %get3A_333 = tpu.vector_load %arg4[%get3A_331, %get3A_332] {strides = array<i32>} : memref<64x128xf32, #tpu.memory_space<vmem>>, vector<1x16xf32>,
        %get3A_334 = vector.shape_cast %get3A_333 : vector<1x16xf32> to vector<16xf32>
        %get3A_335 = arith.constant 56 : i32
        %get3A_336 = arith.index_cast %get3A_335 : i32 to index
        %get3A_337 = arith.index_cast %mul3A_43 : i32 to index
        %get3A_338 = tpu.vector_load %arg4[%get3A_336, %get3A_337] {strides = array<i32>} : memref<64x128xf32, #tpu.memory_space<vmem>>, vector<1x16xf32>,
        %get3A_339 = vector.shape_cast %get3A_338 : vector<1x16xf32> to vector<16xf32>
        %get3A_340 = arith.constant 57 : i32
        %get3A_341 = arith.index_cast %get3A_340 : i32 to index
        %get3A_342 = arith.index_cast %mul3A_43 : i32 to index
        %get3A_343 = tpu.vector_load %arg4[%get3A_341, %get3A_342] {strides = array<i32>} : memref<64x128xf32, #tpu.memory_space<vmem>>, vector<1x16xf32>,
        %get3A_344 = vector.shape_cast %get3A_343 : vector<1x16xf32> to vector<16xf32>
        %get3A_345 = arith.constant 58 : i32
        %get3A_346 = arith.index_cast %get3A_345 : i32 to index
        %get3A_347 = arith.index_cast %mul3A_43 : i32 to index
        %get3A_348 = tpu.vector_load %arg4[%get3A_346, %get3A_347] {strides = array<i32>} : memref<64x128xf32, #tpu.memory_space<vmem>>, vector<1x16xf32>,
        %get3A_349 = vector.shape_cast %get3A_348 : vector<1x16xf32> to vector<16xf32>
        %get3A_350 = arith.constant 59 : i32
        %get3A_351 = arith.index_cast %get3A_350 : i32 to index
        %get3A_352 = arith.index_cast %mul3A_43 : i32 to index
        %get3A_353 = tpu.vector_load %arg4[%get3A_351, %get3A_352] {strides = array<i32>} : memref<64x128xf32, #tpu.memory_space<vmem>>, vector<1x16xf32>,
        %get3A_354 = vector.shape_cast %get3A_353 : vector<1x16xf32> to vector<16xf32>
        %get3A_355 = arith.constant 60 : i32
        %get3A_356 = arith.index_cast %get3A_355 : i32 to index
        %get3A_357 = arith.index_cast %mul3A_43 : i32 to index
        %get3A_358 = tpu.vector_load %arg4[%get3A_356, %get3A_357] {strides = array<i32>} : memref<64x128xf32, #tpu.memory_space<vmem>>, vector<1x16xf32>,
        %get3A_359 = vector.shape_cast %get3A_358 : vector<1x16xf32> to vector<16xf32>
        %get3A_360 = arith.constant 61 : i32
        %get3A_361 = arith.index_cast %get3A_360 : i32 to index
        %get3A_362 = arith.index_cast %mul3A_43 : i32 to index
        %get3A_363 = tpu.vector_load %arg4[%get3A_361, %get3A_362] {strides = array<i32>} : memref<64x128xf32, #tpu.memory_space<vmem>>, vector<1x16xf32>,
        %get3A_364 = vector.shape_cast %get3A_363 : vector<1x16xf32> to vector<16xf32>
        %get3A_365 = arith.constant 62 : i32
        %get3A_366 = arith.index_cast %get3A_365 : i32 to index
        %get3A_367 = arith.index_cast %mul3A_43 : i32 to index
        %get3A_368 = tpu.vector_load %arg4[%get3A_366, %get3A_367] {strides = array<i32>} : memref<64x128xf32, #tpu.memory_space<vmem>>, vector<1x16xf32>,
        %get3A_369 = vector.shape_cast %get3A_368 : vector<1x16xf32> to vector<16xf32>
        %get3A_370 = arith.constant 63 : i32
        %get3A_371 = arith.index_cast %get3A_370 : i32 to index
        %get3A_372 = arith.index_cast %mul3A_43 : i32 to index
        %get3A_373 = tpu.vector_load %arg4[%get3A_371, %get3A_372] {strides = array<i32>} : memref<64x128xf32, #tpu.memory_space<vmem>>, vector<1x16xf32>,
        %get3A_374 = vector.shape_cast %get3A_373 : vector<1x16xf32> to vector<16xf32>
        %gt3A = arith.cmpf ogt, %get3A_59, %get3A_54 : vector<16xf32>
        %jit3A_375 = arith.constant 1.000000e+00 : f32
        %jit3A_376 = arith.constant 0.000000e+00 : f32
        %broadcast_in_dim3A = vector.broadcast %jit3A_375 : f32 to vector<16xf32>
        %broadcast_in_dim3A_377 = vector.broadcast %jit3A_376 : f32 to vector<16xf32>
        %select_n3A_378 = arith.select %gt3A, %broadcast_in_dim3A, %broadcast_in_dim3A_377 : vector<16xi1>, vector<16xf32>
        %gt3A_379 = arith.cmpf ogt, %get3A_64, %get3A_54 : vector<16xf32>
        %jit3A_380 = arith.constant 1.000000e+00 : f32
        %jit3A_381 = arith.constant 0.000000e+00 : f32
        %broadcast_in_dim3A_382 = vector.broadcast %jit3A_380 : f32 to vector<16xf32>
        %broadcast_in_dim3A_383 = vector.broadcast %jit3A_381 : f32 to vector<16xf32>
        %select_n3A_384 = arith.select %gt3A_379, %broadcast_in_dim3A_382, %broadcast_in_dim3A_383 : vector<16xi1>, vector<16xf32>
        %gt3A_385 = arith.cmpf ogt, %get3A_69, %get3A_54 : vector<16xf32>
        %jit3A_386 = arith.constant 1.000000e+00 : f32
        %jit3A_387 = arith.constant 0.000000e+00 : f32
        %broadcast_in_dim3A_388 = vector.broadcast %jit3A_386 : f32 to vector<16xf32>
        %broadcast_in_dim3A_389 = vector.broadcast %jit3A_387 : f32 to vector<16xf32>
        %select_n3A_390 = arith.select %gt3A_385, %broadcast_in_dim3A_388, %broadcast_in_dim3A_389 : vector<16xi1>, vector<16xf32>
        %gt3A_391 = arith.cmpf ogt, %get3A_74, %get3A_54 : vector<16xf32>
        %jit3A_392 = arith.constant 1.000000e+00 : f32
        %jit3A_393 = arith.constant 0.000000e+00 : f32
        %broadcast_in_dim3A_394 = vector.broadcast %jit3A_392 : f32 to vector<16xf32>
        %broadcast_in_dim3A_395 = vector.broadcast %jit3A_393 : f32 to vector<16xf32>
        %select_n3A_396 = arith.select %gt3A_391, %broadcast_in_dim3A_394, %broadcast_in_dim3A_395 : vector<16xi1>, vector<16xf32>
        %gt3A_397 = arith.cmpf ogt, %get3A_79, %get3A_54 : vector<16xf32>
        %jit3A_398 = arith.constant 1.000000e+00 : f32
        %jit3A_399 = arith.constant 0.000000e+00 : f32
        %broadcast_in_dim3A_400 = vector.broadcast %jit3A_398 : f32 to vector<16xf32>
        %broadcast_in_dim3A_401 = vector.broadcast %jit3A_399 : f32 to vector<16xf32>
        %select_n3A_402 = arith.select %gt3A_397, %broadcast_in_dim3A_400, %broadcast_in_dim3A_401 : vector<16xi1>, vector<16xf32>
        %gt3A_403 = arith.cmpf ogt, %get3A_84, %get3A_54 : vector<16xf32>
        %jit3A_404 = arith.constant 1.000000e+00 : f32
        %jit3A_405 = arith.constant 0.000000e+00 : f32
        %broadcast_in_dim3A_406 = vector.broadcast %jit3A_404 : f32 to vector<16xf32>
        %broadcast_in_dim3A_407 = vector.broadcast %jit3A_405 : f32 to vector<16xf32>
        %select_n3A_408 = arith.select %gt3A_403, %broadcast_in_dim3A_406, %broadcast_in_dim3A_407 : vector<16xi1>, vector<16xf32>
        %gt3A_409 = arith.cmpf ogt, %get3A_89, %get3A_54 : vector<16xf32>
        %jit3A_410 = arith.constant 1.000000e+00 : f32
        %jit3A_411 = arith.constant 0.000000e+00 : f32
        %broadcast_in_dim3A_412 = vector.broadcast %jit3A_410 : f32 to vector<16xf32>
        %broadcast_in_dim3A_413 = vector.broadcast %jit3A_411 : f32 to vector<16xf32>
        %select_n3A_414 = arith.select %gt3A_409, %broadcast_in_dim3A_412, %broadcast_in_dim3A_413 : vector<16xi1>, vector<16xf32>
        %gt3A_415 = arith.cmpf ogt, %get3A_94, %get3A_54 : vector<16xf32>
        %jit3A_416 = arith.constant 1.000000e+00 : f32
        %jit3A_417 = arith.constant 0.000000e+00 : f32
        %broadcast_in_dim3A_418 = vector.broadcast %jit3A_416 : f32 to vector<16xf32>
        %broadcast_in_dim3A_419 = vector.broadcast %jit3A_417 : f32 to vector<16xf32>
        %select_n3A_420 = arith.select %gt3A_415, %broadcast_in_dim3A_418, %broadcast_in_dim3A_419 : vector<16xi1>, vector<16xf32>
        %gt3A_421 = arith.cmpf ogt, %get3A_99, %get3A_54 : vector<16xf32>
        %jit3A_422 = arith.constant 1.000000e+00 : f32
        %jit3A_423 = arith.constant 0.000000e+00 : f32
        %broadcast_in_dim3A_424 = vector.broadcast %jit3A_422 : f32 to vector<16xf32>
        %broadcast_in_dim3A_425 = vector.broadcast %jit3A_423 : f32 to vector<16xf32>
        %select_n3A_426 = arith.select %gt3A_421, %broadcast_in_dim3A_424, %broadcast_in_dim3A_425 : vector<16xi1>, vector<16xf32>
        %gt3A_427 = arith.cmpf ogt, %get3A_104, %get3A_54 : vector<16xf32>
        %jit3A_428 = arith.constant 1.000000e+00 : f32
        %jit3A_429 = arith.constant 0.000000e+00 : f32
        %broadcast_in_dim3A_430 = vector.broadcast %jit3A_428 : f32 to vector<16xf32>
        %broadcast_in_dim3A_431 = vector.broadcast %jit3A_429 : f32 to vector<16xf32>
        %select_n3A_432 = arith.select %gt3A_427, %broadcast_in_dim3A_430, %broadcast_in_dim3A_431 : vector<16xi1>, vector<16xf32>
        %gt3A_433 = arith.cmpf ogt, %get3A_109, %get3A_54 : vector<16xf32>
        %jit3A_434 = arith.constant 1.000000e+00 : f32
        %jit3A_435 = arith.constant 0.000000e+00 : f32
        %broadcast_in_dim3A_436 = vector.broadcast %jit3A_434 : f32 to vector<16xf32>
        %broadcast_in_dim3A_437 = vector.broadcast %jit3A_435 : f32 to vector<16xf32>
        %select_n3A_438 = arith.select %gt3A_433, %broadcast_in_dim3A_436, %broadcast_in_dim3A_437 : vector<16xi1>, vector<16xf32>
        %gt3A_439 = arith.cmpf ogt, %get3A_114, %get3A_54 : vector<16xf32>
        %jit3A_440 = arith.constant 1.000000e+00 : f32
        %jit3A_441 = arith.constant 0.000000e+00 : f32
        %broadcast_in_dim3A_442 = vector.broadcast %jit3A_440 : f32 to vector<16xf32>
        %broadcast_in_dim3A_443 = vector.broadcast %jit3A_441 : f32 to vector<16xf32>
        %select_n3A_444 = arith.select %gt3A_439, %broadcast_in_dim3A_442, %broadcast_in_dim3A_443 : vector<16xi1>, vector<16xf32>
        %gt3A_445 = arith.cmpf ogt, %get3A_119, %get3A_54 : vector<16xf32>
        %jit3A_446 = arith.constant 1.000000e+00 : f32
        %jit3A_447 = arith.constant 0.000000e+00 : f32
        %broadcast_in_dim3A_448 = vector.broadcast %jit3A_446 : f32 to vector<16xf32>
        %broadcast_in_dim3A_449 = vector.broadcast %jit3A_447 : f32 to vector<16xf32>
        %select_n3A_450 = arith.select %gt3A_445, %broadcast_in_dim3A_448, %broadcast_in_dim3A_449 : vector<16xi1>, vector<16xf32>
        %gt3A_451 = arith.cmpf ogt, %get3A_124, %get3A_54 : vector<16xf32>
        %jit3A_452 = arith.constant 1.000000e+00 : f32
        %jit3A_453 = arith.constant 0.000000e+00 : f32
        %broadcast_in_dim3A_454 = vector.broadcast %jit3A_452 : f32 to vector<16xf32>
        %broadcast_in_dim3A_455 = vector.broadcast %jit3A_453 : f32 to vector<16xf32>
        %select_n3A_456 = arith.select %gt3A_451, %broadcast_in_dim3A_454, %broadcast_in_dim3A_455 : vector<16xi1>, vector<16xf32>
        %gt3A_457 = arith.cmpf ogt, %get3A_129, %get3A_54 : vector<16xf32>
        %jit3A_458 = arith.constant 1.000000e+00 : f32
        %jit3A_459 = arith.constant 0.000000e+00 : f32
        %broadcast_in_dim3A_460 = vector.broadcast %jit3A_458 : f32 to vector<16xf32>
        %broadcast_in_dim3A_461 = vector.broadcast %jit3A_459 : f32 to vector<16xf32>
        %select_n3A_462 = arith.select %gt3A_457, %broadcast_in_dim3A_460, %broadcast_in_dim3A_461 : vector<16xi1>, vector<16xf32>
        %gt3A_463 = arith.cmpf ogt, %get3A_134, %get3A_54 : vector<16xf32>
        %jit3A_464 = arith.constant 1.000000e+00 : f32
        %jit3A_465 = arith.constant 0.000000e+00 : f32
        %broadcast_in_dim3A_466 = vector.broadcast %jit3A_464 : f32 to vector<16xf32>
        %broadcast_in_dim3A_467 = vector.broadcast %jit3A_465 : f32 to vector<16xf32>
        %select_n3A_468 = arith.select %gt3A_463, %broadcast_in_dim3A_466, %broadcast_in_dim3A_467 : vector<16xi1>, vector<16xf32>
        %gt3A_469 = arith.cmpf ogt, %get3A_139, %get3A_54 : vector<16xf32>
        %jit3A_470 = arith.constant 1.000000e+00 : f32
        %jit3A_471 = arith.constant 0.000000e+00 : f32
        %broadcast_in_dim3A_472 = vector.broadcast %jit3A_470 : f32 to vector<16xf32>
        %broadcast_in_dim3A_473 = vector.broadcast %jit3A_471 : f32 to vector<16xf32>
        %select_n3A_474 = arith.select %gt3A_469, %broadcast_in_dim3A_472, %broadcast_in_dim3A_473 : vector<16xi1>, vector<16xf32>
        %gt3A_475 = arith.cmpf ogt, %get3A_144, %get3A_54 : vector<16xf32>
        %jit3A_476 = arith.constant 1.000000e+00 : f32
        %jit3A_477 = arith.constant 0.000000e+00 : f32
        %broadcast_in_dim3A_478 = vector.broadcast %jit3A_476 : f32 to vector<16xf32>
        %broadcast_in_dim3A_479 = vector.broadcast %jit3A_477 : f32 to vector<16xf32>
        %select_n3A_480 = arith.select %gt3A_475, %broadcast_in_dim3A_478, %broadcast_in_dim3A_479 : vector<16xi1>, vector<16xf32>
        %gt3A_481 = arith.cmpf ogt, %get3A_149, %get3A_54 : vector<16xf32>
        %jit3A_482 = arith.constant 1.000000e+00 : f32
        %jit3A_483 = arith.constant 0.000000e+00 : f32
        %broadcast_in_dim3A_484 = vector.broadcast %jit3A_482 : f32 to vector<16xf32>
        %broadcast_in_dim3A_485 = vector.broadcast %jit3A_483 : f32 to vector<16xf32>
        %select_n3A_486 = arith.select %gt3A_481, %broadcast_in_dim3A_484, %broadcast_in_dim3A_485 : vector<16xi1>, vector<16xf32>
        %gt3A_487 = arith.cmpf ogt, %get3A_154, %get3A_54 : vector<16xf32>
        %jit3A_488 = arith.constant 1.000000e+00 : f32
        %jit3A_489 = arith.constant 0.000000e+00 : f32
        %broadcast_in_dim3A_490 = vector.broadcast %jit3A_488 : f32 to vector<16xf32>
        %broadcast_in_dim3A_491 = vector.broadcast %jit3A_489 : f32 to vector<16xf32>
        %select_n3A_492 = arith.select %gt3A_487, %broadcast_in_dim3A_490, %broadcast_in_dim3A_491 : vector<16xi1>, vector<16xf32>
        %gt3A_493 = arith.cmpf ogt, %get3A_159, %get3A_54 : vector<16xf32>
        %jit3A_494 = arith.constant 1.000000e+00 : f32
        %jit3A_495 = arith.constant 0.000000e+00 : f32
        %broadcast_in_dim3A_496 = vector.broadcast %jit3A_494 : f32 to vector<16xf32>
        %broadcast_in_dim3A_497 = vector.broadcast %jit3A_495 : f32 to vector<16xf32>
        %select_n3A_498 = arith.select %gt3A_493, %broadcast_in_dim3A_496, %broadcast_in_dim3A_497 : vector<16xi1>, vector<16xf32>
        %gt3A_499 = arith.cmpf ogt, %get3A_164, %get3A_54 : vector<16xf32>
        %jit3A_500 = arith.constant 1.000000e+00 : f32
        %jit3A_501 = arith.constant 0.000000e+00 : f32
        %broadcast_in_dim3A_502 = vector.broadcast %jit3A_500 : f32 to vector<16xf32>
        %broadcast_in_dim3A_503 = vector.broadcast %jit3A_501 : f32 to vector<16xf32>
        %select_n3A_504 = arith.select %gt3A_499, %broadcast_in_dim3A_502, %broadcast_in_dim3A_503 : vector<16xi1>, vector<16xf32>
        %gt3A_505 = arith.cmpf ogt, %get3A_169, %get3A_54 : vector<16xf32>
        %jit3A_506 = arith.constant 1.000000e+00 : f32
        %jit3A_507 = arith.constant 0.000000e+00 : f32
        %broadcast_in_dim3A_508 = vector.broadcast %jit3A_506 : f32 to vector<16xf32>
        %broadcast_in_dim3A_509 = vector.broadcast %jit3A_507 : f32 to vector<16xf32>
        %select_n3A_510 = arith.select %gt3A_505, %broadcast_in_dim3A_508, %broadcast_in_dim3A_509 : vector<16xi1>, vector<16xf32>
        %gt3A_511 = arith.cmpf ogt, %get3A_174, %get3A_54 : vector<16xf32>
        %jit3A_512 = arith.constant 1.000000e+00 : f32
        %jit3A_513 = arith.constant 0.000000e+00 : f32
        %broadcast_in_dim3A_514 = vector.broadcast %jit3A_512 : f32 to vector<16xf32>
        %broadcast_in_dim3A_515 = vector.broadcast %jit3A_513 : f32 to vector<16xf32>
        %select_n3A_516 = arith.select %gt3A_511, %broadcast_in_dim3A_514, %broadcast_in_dim3A_515 : vector<16xi1>, vector<16xf32>
        %gt3A_517 = arith.cmpf ogt, %get3A_179, %get3A_54 : vector<16xf32>
        %jit3A_518 = arith.constant 1.000000e+00 : f32
        %jit3A_519 = arith.constant 0.000000e+00 : f32
        %broadcast_in_dim3A_520 = vector.broadcast %jit3A_518 : f32 to vector<16xf32>
        %broadcast_in_dim3A_521 = vector.broadcast %jit3A_519 : f32 to vector<16xf32>
        %select_n3A_522 = arith.select %gt3A_517, %broadcast_in_dim3A_520, %broadcast_in_dim3A_521 : vector<16xi1>, vector<16xf32>
        %gt3A_523 = arith.cmpf ogt, %get3A_184, %get3A_54 : vector<16xf32>
        %jit3A_524 = arith.constant 1.000000e+00 : f32
        %jit3A_525 = arith.constant 0.000000e+00 : f32
        %broadcast_in_dim3A_526 = vector.broadcast %jit3A_524 : f32 to vector<16xf32>
        %broadcast_in_dim3A_527 = vector.broadcast %jit3A_525 : f32 to vector<16xf32>
        %select_n3A_528 = arith.select %gt3A_523, %broadcast_in_dim3A_526, %broadcast_in_dim3A_527 : vector<16xi1>, vector<16xf32>
        %gt3A_529 = arith.cmpf ogt, %get3A_189, %get3A_54 : vector<16xf32>
        %jit3A_530 = arith.constant 1.000000e+00 : f32
        %jit3A_531 = arith.constant 0.000000e+00 : f32
        %broadcast_in_dim3A_532 = vector.broadcast %jit3A_530 : f32 to vector<16xf32>
        %broadcast_in_dim3A_533 = vector.broadcast %jit3A_531 : f32 to vector<16xf32>
        %select_n3A_534 = arith.select %gt3A_529, %broadcast_in_dim3A_532, %broadcast_in_dim3A_533 : vector<16xi1>, vector<16xf32>
        %gt3A_535 = arith.cmpf ogt, %get3A_194, %get3A_54 : vector<16xf32>
        %jit3A_536 = arith.constant 1.000000e+00 : f32
        %jit3A_537 = arith.constant 0.000000e+00 : f32
        %broadcast_in_dim3A_538 = vector.broadcast %jit3A_536 : f32 to vector<16xf32>
        %broadcast_in_dim3A_539 = vector.broadcast %jit3A_537 : f32 to vector<16xf32>
        %select_n3A_540 = arith.select %gt3A_535, %broadcast_in_dim3A_538, %broadcast_in_dim3A_539 : vector<16xi1>, vector<16xf32>
        %gt3A_541 = arith.cmpf ogt, %get3A_199, %get3A_54 : vector<16xf32>
        %jit3A_542 = arith.constant 1.000000e+00 : f32
        %jit3A_543 = arith.constant 0.000000e+00 : f32
        %broadcast_in_dim3A_544 = vector.broadcast %jit3A_542 : f32 to vector<16xf32>
        %broadcast_in_dim3A_545 = vector.broadcast %jit3A_543 : f32 to vector<16xf32>
        %select_n3A_546 = arith.select %gt3A_541, %broadcast_in_dim3A_544, %broadcast_in_dim3A_545 : vector<16xi1>, vector<16xf32>
        %gt3A_547 = arith.cmpf ogt, %get3A_204, %get3A_54 : vector<16xf32>
        %jit3A_548 = arith.constant 1.000000e+00 : f32
        %jit3A_549 = arith.constant 0.000000e+00 : f32
        %broadcast_in_dim3A_550 = vector.broadcast %jit3A_548 : f32 to vector<16xf32>
        %broadcast_in_dim3A_551 = vector.broadcast %jit3A_549 : f32 to vector<16xf32>
        %select_n3A_552 = arith.select %gt3A_547, %broadcast_in_dim3A_550, %broadcast_in_dim3A_551 : vector<16xi1>, vector<16xf32>
        %gt3A_553 = arith.cmpf ogt, %get3A_209, %get3A_54 : vector<16xf32>
        %jit3A_554 = arith.constant 1.000000e+00 : f32
        %jit3A_555 = arith.constant 0.000000e+00 : f32
        %broadcast_in_dim3A_556 = vector.broadcast %jit3A_554 : f32 to vector<16xf32>
        %broadcast_in_dim3A_557 = vector.broadcast %jit3A_555 : f32 to vector<16xf32>
        %select_n3A_558 = arith.select %gt3A_553, %broadcast_in_dim3A_556, %broadcast_in_dim3A_557 : vector<16xi1>, vector<16xf32>
        %gt3A_559 = arith.cmpf ogt, %get3A_214, %get3A_54 : vector<16xf32>
        %jit3A_560 = arith.constant 1.000000e+00 : f32
        %jit3A_561 = arith.constant 0.000000e+00 : f32
        %broadcast_in_dim3A_562 = vector.broadcast %jit3A_560 : f32 to vector<16xf32>
        %broadcast_in_dim3A_563 = vector.broadcast %jit3A_561 : f32 to vector<16xf32>
        %select_n3A_564 = arith.select %gt3A_559, %broadcast_in_dim3A_562, %broadcast_in_dim3A_563 : vector<16xi1>, vector<16xf32>
        %gt3A_565 = arith.cmpf ogt, %get3A_219, %get3A_54 : vector<16xf32>
        %jit3A_566 = arith.constant 1.000000e+00 : f32
        %jit3A_567 = arith.constant 0.000000e+00 : f32
        %broadcast_in_dim3A_568 = vector.broadcast %jit3A_566 : f32 to vector<16xf32>
        %broadcast_in_dim3A_569 = vector.broadcast %jit3A_567 : f32 to vector<16xf32>
        %select_n3A_570 = arith.select %gt3A_565, %broadcast_in_dim3A_568, %broadcast_in_dim3A_569 : vector<16xi1>, vector<16xf32>
        %gt3A_571 = arith.cmpf ogt, %get3A_224, %get3A_54 : vector<16xf32>
        %jit3A_572 = arith.constant 1.000000e+00 : f32
        %jit3A_573 = arith.constant 0.000000e+00 : f32
        %broadcast_in_dim3A_574 = vector.broadcast %jit3A_572 : f32 to vector<16xf32>
        %broadcast_in_dim3A_575 = vector.broadcast %jit3A_573 : f32 to vector<16xf32>
        %select_n3A_576 = arith.select %gt3A_571, %broadcast_in_dim3A_574, %broadcast_in_dim3A_575 : vector<16xi1>, vector<16xf32>
        %gt3A_577 = arith.cmpf ogt, %get3A_229, %get3A_54 : vector<16xf32>
        %jit3A_578 = arith.constant 1.000000e+00 : f32
        %jit3A_579 = arith.constant 0.000000e+00 : f32
        %broadcast_in_dim3A_580 = vector.broadcast %jit3A_578 : f32 to vector<16xf32>
        %broadcast_in_dim3A_581 = vector.broadcast %jit3A_579 : f32 to vector<16xf32>
        %select_n3A_582 = arith.select %gt3A_577, %broadcast_in_dim3A_580, %broadcast_in_dim3A_581 : vector<16xi1>, vector<16xf32>
        %gt3A_583 = arith.cmpf ogt, %get3A_234, %get3A_54 : vector<16xf32>
        %jit3A_584 = arith.constant 1.000000e+00 : f32
        %jit3A_585 = arith.constant 0.000000e+00 : f32
        %broadcast_in_dim3A_586 = vector.broadcast %jit3A_584 : f32 to vector<16xf32>
        %broadcast_in_dim3A_587 = vector.broadcast %jit3A_585 : f32 to vector<16xf32>
        %select_n3A_588 = arith.select %gt3A_583, %broadcast_in_dim3A_586, %broadcast_in_dim3A_587 : vector<16xi1>, vector<16xf32>
        %gt3A_589 = arith.cmpf ogt, %get3A_239, %get3A_54 : vector<16xf32>
        %jit3A_590 = arith.constant 1.000000e+00 : f32
        %jit3A_591 = arith.constant 0.000000e+00 : f32
        %broadcast_in_dim3A_592 = vector.broadcast %jit3A_590 : f32 to vector<16xf32>
        %broadcast_in_dim3A_593 = vector.broadcast %jit3A_591 : f32 to vector<16xf32>
        %select_n3A_594 = arith.select %gt3A_589, %broadcast_in_dim3A_592, %broadcast_in_dim3A_593 : vector<16xi1>, vector<16xf32>
        %gt3A_595 = arith.cmpf ogt, %get3A_244, %get3A_54 : vector<16xf32>
        %jit3A_596 = arith.constant 1.000000e+00 : f32
        %jit3A_597 = arith.constant 0.000000e+00 : f32
        %broadcast_in_dim3A_598 = vector.broadcast %jit3A_596 : f32 to vector<16xf32>
        %broadcast_in_dim3A_599 = vector.broadcast %jit3A_597 : f32 to vector<16xf32>
        %select_n3A_600 = arith.select %gt3A_595, %broadcast_in_dim3A_598, %broadcast_in_dim3A_599 : vector<16xi1>, vector<16xf32>
        %gt3A_601 = arith.cmpf ogt, %get3A_249, %get3A_54 : vector<16xf32>
        %jit3A_602 = arith.constant 1.000000e+00 : f32
        %jit3A_603 = arith.constant 0.000000e+00 : f32
        %broadcast_in_dim3A_604 = vector.broadcast %jit3A_602 : f32 to vector<16xf32>
        %broadcast_in_dim3A_605 = vector.broadcast %jit3A_603 : f32 to vector<16xf32>
        %select_n3A_606 = arith.select %gt3A_601, %broadcast_in_dim3A_604, %broadcast_in_dim3A_605 : vector<16xi1>, vector<16xf32>
        %gt3A_607 = arith.cmpf ogt, %get3A_254, %get3A_54 : vector<16xf32>
        %jit3A_608 = arith.constant 1.000000e+00 : f32
        %jit3A_609 = arith.constant 0.000000e+00 : f32
        %broadcast_in_dim3A_610 = vector.broadcast %jit3A_608 : f32 to vector<16xf32>
        %broadcast_in_dim3A_611 = vector.broadcast %jit3A_609 : f32 to vector<16xf32>
        %select_n3A_612 = arith.select %gt3A_607, %broadcast_in_dim3A_610, %broadcast_in_dim3A_611 : vector<16xi1>, vector<16xf32>
        %gt3A_613 = arith.cmpf ogt, %get3A_259, %get3A_54 : vector<16xf32>
        %jit3A_614 = arith.constant 1.000000e+00 : f32
        %jit3A_615 = arith.constant 0.000000e+00 : f32
        %broadcast_in_dim3A_616 = vector.broadcast %jit3A_614 : f32 to vector<16xf32>
        %broadcast_in_dim3A_617 = vector.broadcast %jit3A_615 : f32 to vector<16xf32>
        %select_n3A_618 = arith.select %gt3A_613, %broadcast_in_dim3A_616, %broadcast_in_dim3A_617 : vector<16xi1>, vector<16xf32>
        %gt3A_619 = arith.cmpf ogt, %get3A_264, %get3A_54 : vector<16xf32>
        %jit3A_620 = arith.constant 1.000000e+00 : f32
        %jit3A_621 = arith.constant 0.000000e+00 : f32
        %broadcast_in_dim3A_622 = vector.broadcast %jit3A_620 : f32 to vector<16xf32>
        %broadcast_in_dim3A_623 = vector.broadcast %jit3A_621 : f32 to vector<16xf32>
        %select_n3A_624 = arith.select %gt3A_619, %broadcast_in_dim3A_622, %broadcast_in_dim3A_623 : vector<16xi1>, vector<16xf32>
        %gt3A_625 = arith.cmpf ogt, %get3A_269, %get3A_54 : vector<16xf32>
        %jit3A_626 = arith.constant 1.000000e+00 : f32
        %jit3A_627 = arith.constant 0.000000e+00 : f32
        %broadcast_in_dim3A_628 = vector.broadcast %jit3A_626 : f32 to vector<16xf32>
        %broadcast_in_dim3A_629 = vector.broadcast %jit3A_627 : f32 to vector<16xf32>
        %select_n3A_630 = arith.select %gt3A_625, %broadcast_in_dim3A_628, %broadcast_in_dim3A_629 : vector<16xi1>, vector<16xf32>
        %gt3A_631 = arith.cmpf ogt, %get3A_274, %get3A_54 : vector<16xf32>
        %jit3A_632 = arith.constant 1.000000e+00 : f32
        %jit3A_633 = arith.constant 0.000000e+00 : f32
        %broadcast_in_dim3A_634 = vector.broadcast %jit3A_632 : f32 to vector<16xf32>
        %broadcast_in_dim3A_635 = vector.broadcast %jit3A_633 : f32 to vector<16xf32>
        %select_n3A_636 = arith.select %gt3A_631, %broadcast_in_dim3A_634, %broadcast_in_dim3A_635 : vector<16xi1>, vector<16xf32>
        %gt3A_637 = arith.cmpf ogt, %get3A_279, %get3A_54 : vector<16xf32>
        %jit3A_638 = arith.constant 1.000000e+00 : f32
        %jit3A_639 = arith.constant 0.000000e+00 : f32
        %broadcast_in_dim3A_640 = vector.broadcast %jit3A_638 : f32 to vector<16xf32>
        %broadcast_in_dim3A_641 = vector.broadcast %jit3A_639 : f32 to vector<16xf32>
        %select_n3A_642 = arith.select %gt3A_637, %broadcast_in_dim3A_640, %broadcast_in_dim3A_641 : vector<16xi1>, vector<16xf32>
        %gt3A_643 = arith.cmpf ogt, %get3A_284, %get3A_54 : vector<16xf32>
        %jit3A_644 = arith.constant 1.000000e+00 : f32
        %jit3A_645 = arith.constant 0.000000e+00 : f32
        %broadcast_in_dim3A_646 = vector.broadcast %jit3A_644 : f32 to vector<16xf32>
        %broadcast_in_dim3A_647 = vector.broadcast %jit3A_645 : f32 to vector<16xf32>
        %select_n3A_648 = arith.select %gt3A_643, %broadcast_in_dim3A_646, %broadcast_in_dim3A_647 : vector<16xi1>, vector<16xf32>
        %gt3A_649 = arith.cmpf ogt, %get3A_289, %get3A_54 : vector<16xf32>
        %jit3A_650 = arith.constant 1.000000e+00 : f32
        %jit3A_651 = arith.constant 0.000000e+00 : f32
        %broadcast_in_dim3A_652 = vector.broadcast %jit3A_650 : f32 to vector<16xf32>
        %broadcast_in_dim3A_653 = vector.broadcast %jit3A_651 : f32 to vector<16xf32>
        %select_n3A_654 = arith.select %gt3A_649, %broadcast_in_dim3A_652, %broadcast_in_dim3A_653 : vector<16xi1>, vector<16xf32>
        %gt3A_655 = arith.cmpf ogt, %get3A_294, %get3A_54 : vector<16xf32>
        %jit3A_656 = arith.constant 1.000000e+00 : f32
        %jit3A_657 = arith.constant 0.000000e+00 : f32
        %broadcast_in_dim3A_658 = vector.broadcast %jit3A_656 : f32 to vector<16xf32>
        %broadcast_in_dim3A_659 = vector.broadcast %jit3A_657 : f32 to vector<16xf32>
        %select_n3A_660 = arith.select %gt3A_655, %broadcast_in_dim3A_658, %broadcast_in_dim3A_659 : vector<16xi1>, vector<16xf32>
        %gt3A_661 = arith.cmpf ogt, %get3A_299, %get3A_54 : vector<16xf32>
        %jit3A_662 = arith.constant 1.000000e+00 : f32
        %jit3A_663 = arith.constant 0.000000e+00 : f32
        %broadcast_in_dim3A_664 = vector.broadcast %jit3A_662 : f32 to vector<16xf32>
        %broadcast_in_dim3A_665 = vector.broadcast %jit3A_663 : f32 to vector<16xf32>
        %select_n3A_666 = arith.select %gt3A_661, %broadcast_in_dim3A_664, %broadcast_in_dim3A_665 : vector<16xi1>, vector<16xf32>
        %gt3A_667 = arith.cmpf ogt, %get3A_304, %get3A_54 : vector<16xf32>
        %jit3A_668 = arith.constant 1.000000e+00 : f32
        %jit3A_669 = arith.constant 0.000000e+00 : f32
        %broadcast_in_dim3A_670 = vector.broadcast %jit3A_668 : f32 to vector<16xf32>
        %broadcast_in_dim3A_671 = vector.broadcast %jit3A_669 : f32 to vector<16xf32>
        %select_n3A_672 = arith.select %gt3A_667, %broadcast_in_dim3A_670, %broadcast_in_dim3A_671 : vector<16xi1>, vector<16xf32>
        %gt3A_673 = arith.cmpf ogt, %get3A_309, %get3A_54 : vector<16xf32>
        %jit3A_674 = arith.constant 1.000000e+00 : f32
        %jit3A_675 = arith.constant 0.000000e+00 : f32
        %broadcast_in_dim3A_676 = vector.broadcast %jit3A_674 : f32 to vector<16xf32>
        %broadcast_in_dim3A_677 = vector.broadcast %jit3A_675 : f32 to vector<16xf32>
        %select_n3A_678 = arith.select %gt3A_673, %broadcast_in_dim3A_676, %broadcast_in_dim3A_677 : vector<16xi1>, vector<16xf32>
        %gt3A_679 = arith.cmpf ogt, %get3A_314, %get3A_54 : vector<16xf32>
        %jit3A_680 = arith.constant 1.000000e+00 : f32
        %jit3A_681 = arith.constant 0.000000e+00 : f32
        %broadcast_in_dim3A_682 = vector.broadcast %jit3A_680 : f32 to vector<16xf32>
        %broadcast_in_dim3A_683 = vector.broadcast %jit3A_681 : f32 to vector<16xf32>
        %select_n3A_684 = arith.select %gt3A_679, %broadcast_in_dim3A_682, %broadcast_in_dim3A_683 : vector<16xi1>, vector<16xf32>
        %gt3A_685 = arith.cmpf ogt, %get3A_319, %get3A_54 : vector<16xf32>
        %jit3A_686 = arith.constant 1.000000e+00 : f32
        %jit3A_687 = arith.constant 0.000000e+00 : f32
        %broadcast_in_dim3A_688 = vector.broadcast %jit3A_686 : f32 to vector<16xf32>
        %broadcast_in_dim3A_689 = vector.broadcast %jit3A_687 : f32 to vector<16xf32>
        %select_n3A_690 = arith.select %gt3A_685, %broadcast_in_dim3A_688, %broadcast_in_dim3A_689 : vector<16xi1>, vector<16xf32>
        %gt3A_691 = arith.cmpf ogt, %get3A_324, %get3A_54 : vector<16xf32>
        %jit3A_692 = arith.constant 1.000000e+00 : f32
        %jit3A_693 = arith.constant 0.000000e+00 : f32
        %broadcast_in_dim3A_694 = vector.broadcast %jit3A_692 : f32 to vector<16xf32>
        %broadcast_in_dim3A_695 = vector.broadcast %jit3A_693 : f32 to vector<16xf32>
        %select_n3A_696 = arith.select %gt3A_691, %broadcast_in_dim3A_694, %broadcast_in_dim3A_695 : vector<16xi1>, vector<16xf32>
        %gt3A_697 = arith.cmpf ogt, %get3A_329, %get3A_54 : vector<16xf32>
        %jit3A_698 = arith.constant 1.000000e+00 : f32
        %jit3A_699 = arith.constant 0.000000e+00 : f32
        %broadcast_in_dim3A_700 = vector.broadcast %jit3A_698 : f32 to vector<16xf32>
        %broadcast_in_dim3A_701 = vector.broadcast %jit3A_699 : f32 to vector<16xf32>
        %select_n3A_702 = arith.select %gt3A_697, %broadcast_in_dim3A_700, %broadcast_in_dim3A_701 : vector<16xi1>, vector<16xf32>
        %gt3A_703 = arith.cmpf ogt, %get3A_334, %get3A_54 : vector<16xf32>
        %jit3A_704 = arith.constant 1.000000e+00 : f32
        %jit3A_705 = arith.constant 0.000000e+00 : f32
        %broadcast_in_dim3A_706 = vector.broadcast %jit3A_704 : f32 to vector<16xf32>
        %broadcast_in_dim3A_707 = vector.broadcast %jit3A_705 : f32 to vector<16xf32>
        %select_n3A_708 = arith.select %gt3A_703, %broadcast_in_dim3A_706, %broadcast_in_dim3A_707 : vector<16xi1>, vector<16xf32>
        %gt3A_709 = arith.cmpf ogt, %get3A_339, %get3A_54 : vector<16xf32>
        %jit3A_710 = arith.constant 1.000000e+00 : f32
        %jit3A_711 = arith.constant 0.000000e+00 : f32
        %broadcast_in_dim3A_712 = vector.broadcast %jit3A_710 : f32 to vector<16xf32>
        %broadcast_in_dim3A_713 = vector.broadcast %jit3A_711 : f32 to vector<16xf32>
        %select_n3A_714 = arith.select %gt3A_709, %broadcast_in_dim3A_712, %broadcast_in_dim3A_713 : vector<16xi1>, vector<16xf32>
        %gt3A_715 = arith.cmpf ogt, %get3A_344, %get3A_54 : vector<16xf32>
        %jit3A_716 = arith.constant 1.000000e+00 : f32
        %jit3A_717 = arith.constant 0.000000e+00 : f32
        %broadcast_in_dim3A_718 = vector.broadcast %jit3A_716 : f32 to vector<16xf32>
        %broadcast_in_dim3A_719 = vector.broadcast %jit3A_717 : f32 to vector<16xf32>
        %select_n3A_720 = arith.select %gt3A_715, %broadcast_in_dim3A_718, %broadcast_in_dim3A_719 : vector<16xi1>, vector<16xf32>
        %gt3A_721 = arith.cmpf ogt, %get3A_349, %get3A_54 : vector<16xf32>
        %jit3A_722 = arith.constant 1.000000e+00 : f32
        %jit3A_723 = arith.constant 0.000000e+00 : f32
        %broadcast_in_dim3A_724 = vector.broadcast %jit3A_722 : f32 to vector<16xf32>
        %broadcast_in_dim3A_725 = vector.broadcast %jit3A_723 : f32 to vector<16xf32>
        %select_n3A_726 = arith.select %gt3A_721, %broadcast_in_dim3A_724, %broadcast_in_dim3A_725 : vector<16xi1>, vector<16xf32>
        %gt3A_727 = arith.cmpf ogt, %get3A_354, %get3A_54 : vector<16xf32>
        %jit3A_728 = arith.constant 1.000000e+00 : f32
        %jit3A_729 = arith.constant 0.000000e+00 : f32
        %broadcast_in_dim3A_730 = vector.broadcast %jit3A_728 : f32 to vector<16xf32>
        %broadcast_in_dim3A_731 = vector.broadcast %jit3A_729 : f32 to vector<16xf32>
        %select_n3A_732 = arith.select %gt3A_727, %broadcast_in_dim3A_730, %broadcast_in_dim3A_731 : vector<16xi1>, vector<16xf32>
        %gt3A_733 = arith.cmpf ogt, %get3A_359, %get3A_54 : vector<16xf32>
        %jit3A_734 = arith.constant 1.000000e+00 : f32
        %jit3A_735 = arith.constant 0.000000e+00 : f32
        %broadcast_in_dim3A_736 = vector.broadcast %jit3A_734 : f32 to vector<16xf32>
        %broadcast_in_dim3A_737 = vector.broadcast %jit3A_735 : f32 to vector<16xf32>
        %select_n3A_738 = arith.select %gt3A_733, %broadcast_in_dim3A_736, %broadcast_in_dim3A_737 : vector<16xi1>, vector<16xf32>
        %gt3A_739 = arith.cmpf ogt, %get3A_364, %get3A_54 : vector<16xf32>
        %jit3A_740 = arith.constant 1.000000e+00 : f32
        %jit3A_741 = arith.constant 0.000000e+00 : f32
        %broadcast_in_dim3A_742 = vector.broadcast %jit3A_740 : f32 to vector<16xf32>
        %broadcast_in_dim3A_743 = vector.broadcast %jit3A_741 : f32 to vector<16xf32>
        %select_n3A_744 = arith.select %gt3A_739, %broadcast_in_dim3A_742, %broadcast_in_dim3A_743 : vector<16xi1>, vector<16xf32>
        %gt3A_745 = arith.cmpf ogt, %get3A_369, %get3A_54 : vector<16xf32>
        %jit3A_746 = arith.constant 1.000000e+00 : f32
        %jit3A_747 = arith.constant 0.000000e+00 : f32
        %broadcast_in_dim3A_748 = vector.broadcast %jit3A_746 : f32 to vector<16xf32>
        %broadcast_in_dim3A_749 = vector.broadcast %jit3A_747 : f32 to vector<16xf32>
        %select_n3A_750 = arith.select %gt3A_745, %broadcast_in_dim3A_748, %broadcast_in_dim3A_749 : vector<16xi1>, vector<16xf32>
        %gt3A_751 = arith.cmpf ogt, %get3A_374, %get3A_54 : vector<16xf32>
        %jit3A_752 = arith.constant 1.000000e+00 : f32
        %jit3A_753 = arith.constant 0.000000e+00 : f32
        %broadcast_in_dim3A_754 = vector.broadcast %jit3A_752 : f32 to vector<16xf32>
        %broadcast_in_dim3A_755 = vector.broadcast %jit3A_753 : f32 to vector<16xf32>
        %select_n3A_756 = arith.select %gt3A_751, %broadcast_in_dim3A_754, %broadcast_in_dim3A_755 : vector<16xi1>, vector<16xf32>
        %add3A_757 = arith.addf %select_n3A_378, %select_n3A_384 : vector<16xf32>
        %add3A_758 = arith.addf %select_n3A_390, %select_n3A_396 : vector<16xf32>
        %add3A_759 = arith.addf %select_n3A_402, %select_n3A_408 : vector<16xf32>
        %add3A_760 = arith.addf %select_n3A_414, %select_n3A_420 : vector<16xf32>
        %add3A_761 = arith.addf %select_n3A_426, %select_n3A_432 : vector<16xf32>
        %add3A_762 = arith.addf %select_n3A_438, %select_n3A_444 : vector<16xf32>
        %add3A_763 = arith.addf %select_n3A_450, %select_n3A_456 : vector<16xf32>
        %add3A_764 = arith.addf %select_n3A_462, %select_n3A_468 : vector<16xf32>
        %add3A_765 = arith.addf %select_n3A_474, %select_n3A_480 : vector<16xf32>
        %add3A_766 = arith.addf %select_n3A_486, %select_n3A_492 : vector<16xf32>
        %add3A_767 = arith.addf %select_n3A_498, %select_n3A_504 : vector<16xf32>
        %add3A_768 = arith.addf %select_n3A_510, %select_n3A_516 : vector<16xf32>
        %add3A_769 = arith.addf %select_n3A_522, %select_n3A_528 : vector<16xf32>
        %add3A_770 = arith.addf %select_n3A_534, %select_n3A_540 : vector<16xf32>
        %add3A_771 = arith.addf %select_n3A_546, %select_n3A_552 : vector<16xf32>
        %add3A_772 = arith.addf %select_n3A_558, %select_n3A_564 : vector<16xf32>
        %add3A_773 = arith.addf %select_n3A_570, %select_n3A_576 : vector<16xf32>
        %add3A_774 = arith.addf %select_n3A_582, %select_n3A_588 : vector<16xf32>
        %add3A_775 = arith.addf %select_n3A_594, %select_n3A_600 : vector<16xf32>
        %add3A_776 = arith.addf %select_n3A_606, %select_n3A_612 : vector<16xf32>
        %add3A_777 = arith.addf %select_n3A_618, %select_n3A_624 : vector<16xf32>
        %add3A_778 = arith.addf %select_n3A_630, %select_n3A_636 : vector<16xf32>
        %add3A_779 = arith.addf %select_n3A_642, %select_n3A_648 : vector<16xf32>
        %add3A_780 = arith.addf %select_n3A_654, %select_n3A_660 : vector<16xf32>
        %add3A_781 = arith.addf %select_n3A_666, %select_n3A_672 : vector<16xf32>
        %add3A_782 = arith.addf %select_n3A_678, %select_n3A_684 : vector<16xf32>
        %add3A_783 = arith.addf %select_n3A_690, %select_n3A_696 : vector<16xf32>
        %add3A_784 = arith.addf %select_n3A_702, %select_n3A_708 : vector<16xf32>
        %add3A_785 = arith.addf %select_n3A_714, %select_n3A_720 : vector<16xf32>
        %add3A_786 = arith.addf %select_n3A_726, %select_n3A_732 : vector<16xf32>
        %add3A_787 = arith.addf %select_n3A_738, %select_n3A_744 : vector<16xf32>
        %add3A_788 = arith.addf %select_n3A_750, %select_n3A_756 : vector<16xf32>
        %add3A_789 = arith.addf %add3A_757, %add3A_758 : vector<16xf32>
        %add3A_790 = arith.addf %add3A_759, %add3A_760 : vector<16xf32>
        %add3A_791 = arith.addf %add3A_761, %add3A_762 : vector<16xf32>
        %add3A_792 = arith.addf %add3A_763, %add3A_764 : vector<16xf32>
        %add3A_793 = arith.addf %add3A_765, %add3A_766 : vector<16xf32>
        %add3A_794 = arith.addf %add3A_767, %add3A_768 : vector<16xf32>
        %add3A_795 = arith.addf %add3A_769, %add3A_770 : vector<16xf32>
        %add3A_796 = arith.addf %add3A_771, %add3A_772 : vector<16xf32>
        %add3A_797 = arith.addf %add3A_773, %add3A_774 : vector<16xf32>
        %add3A_798 = arith.addf %add3A_775, %add3A_776 : vector<16xf32>
        %add3A_799 = arith.addf %add3A_777, %add3A_778 : vector<16xf32>
        %add3A_800 = arith.addf %add3A_779, %add3A_780 : vector<16xf32>
        %add3A_801 = arith.addf %add3A_781, %add3A_782 : vector<16xf32>
        %add3A_802 = arith.addf %add3A_783, %add3A_784 : vector<16xf32>
        %add3A_803 = arith.addf %add3A_785, %add3A_786 : vector<16xf32>
        %add3A_804 = arith.addf %add3A_787, %add3A_788 : vector<16xf32>
        %add3A_805 = arith.addf %add3A_789, %add3A_790 : vector<16xf32>
        %add3A_806 = arith.addf %add3A_791, %add3A_792 : vector<16xf32>
        %add3A_807 = arith.addf %add3A_793, %add3A_794 : vector<16xf32>
        %add3A_808 = arith.addf %add3A_795, %add3A_796 : vector<16xf32>
        %add3A_809 = arith.addf %add3A_797, %add3A_798 : vector<16xf32>
        %add3A_810 = arith.addf %add3A_799, %add3A_800 : vector<16xf32>
        %add3A_811 = arith.addf %add3A_801, %add3A_802 : vector<16xf32>
        %add3A_812 = arith.addf %add3A_803, %add3A_804 : vector<16xf32>
        %add3A_813 = arith.addf %add3A_805, %add3A_806 : vector<16xf32>
        %add3A_814 = arith.addf %add3A_807, %add3A_808 : vector<16xf32>
        %add3A_815 = arith.addf %add3A_809, %add3A_810 : vector<16xf32>
        %add3A_816 = arith.addf %add3A_811, %add3A_812 : vector<16xf32>
        %add3A_817 = arith.addf %add3A_813, %add3A_814 : vector<16xf32>
        %add3A_818 = arith.addf %add3A_815, %add3A_816 : vector<16xf32>
        %add3A_819 = arith.addf %add3A_817, %add3A_818 : vector<16xf32>
        %add3A_820 = arith.constant 1.000000e+00 : f32
        %add3A_821 = vector.broadcast %add3A_820 : f32 to vector<16xf32>
        %add3A_822 = arith.addf %add3A_819, %add3A_821 : vector<16xf32>
        %swap3A = arith.index_cast %scan3A_50 : i32 to index
        %swap3A_823 = arith.index_cast %mul3A_43 : i32 to index
        %swap3A_824 = tpu.vector_load %arg5[%swap3A, %swap3A_823] {strides = array<i32>} : memref<8x128xf32, #tpu.memory_space<vmem>>, vector<1x16xf32>,
        %swap3A_825 = vector.shape_cast %swap3A_824 : vector<1x16xf32> to vector<16xf32>
        %swap3A_826 = vector.shape_cast %add3A_822 : vector<16xf32> to vector<1x16xf32>
        tpu.vector_store %arg5[%swap3A, %swap3A_823], %swap3A_826 {strides = array<i32>} : memref<8x128xf32, #tpu.memory_space<vmem>>, vector<1x16xf32>,
      }
      %scan3A_49 = arith.constant 8 : i32
    }
    %scan3A_39 = arith.constant 8 : i32
    %multiple_of3A_40 = tpu.assume_multiple %mul3A_32, 8 : i32
    "tpu.region"() ({
      %run_scoped3A = tpu.sem_alloc : memref<!tpu.dma_semaphore, #tpu.memory_space<semaphore_mem>>
      %dma_start3A = tpu.memref_slice %arg3[%multiple_of3A_40, %multiple_of3A] : memref<64x512xf32, #tpu.memory_space<hbm>> -> memref<8x128xf32, #tpu.memory_space<hbm>>
      %dma_start3A_41 = tpu.memref_slice %arg3[%multiple_of3A_40, %multiple_of3A] : memref<64x512xf32, #tpu.memory_space<hbm>> -> memref<8x128xf32, #tpu.memory_space<hbm>>
      tpu.enqueue_dma source(%arg5 : memref<8x128xf32, #tpu.memory_space<vmem>>) target(%dma_start3A_41 : memref<8x128xf32, #tpu.memory_space<hbm>>) target_semaphore(%run_scoped3A : memref<!tpu.dma_semaphore, #tpu.memory_space<semaphore_mem>>)
      %dma_wait3A = tpu.memref_slice %arg3[%multiple_of3A_40, %multiple_of3A] : memref<64x512xf32, #tpu.memory_space<hbm>> -> memref<8x128xf32, #tpu.memory_space<hbm>>
      %dma_wait3A_42 = tpu.memref_slice %arg3[%multiple_of3A_40, %multiple_of3A] : memref<64x512xf32, #tpu.memory_space<hbm>> -> memref<8x128xf32, #tpu.memory_space<hbm>>
      tpu.wait_dma2 semaphore(%run_scoped3A : memref<!tpu.dma_semaphore, #tpu.memory_space<semaphore_mem>>) src(%arg5 : memref<8x128xf32, #tpu.memory_space<vmem>>) dst(%dma_wait3A_42 : memref<8x128xf32, #tpu.memory_space<hbm>>)
      tpu.yield
    }) : () -> ()
    return
  }
}

module attributes {stable_mosaic.version = 14 : i64} {
  func.func @_mm_body(%arg0: i32, %arg1: memref<64x1024xbf16, #tpu.memory_space<vmem>>, %arg2: memref<64x512xf32, #tpu.memory_space<vmem>>, %arg3: memref<64x512xbf16, #tpu.memory_space<vmem>>, %arg4: memref<1024x512xf32, #tpu.memory_space<vmem>>) attributes {dimension_semantics = [#tpu.dimension_semantics<arbitrary>], iteration_bounds = array<i64: 8>, scalar_prefetch = 0 : i64, scratch_operands = 0 : i64, tpu.core_type = #tpu.core_type<tc>, window_params = [{transform_indices = @transform_0, window_bounds = array<i64: 64, 1024>}, {transform_indices = @transform_1, window_bounds = array<i64: 64, 512>}, {transform_indices = @transform_2, window_bounds = array<i64: 64, 512>}, {transform_indices = @transform_3, window_bounds = array<i64: 1024, 512>}]} {
    %lt3A = arith.constant 1 : i32
    %lt3A_0 = arith.cmpi slt, %arg0, %lt3A : i32
    %get3A = arith.constant 0 : index
    %get3A_1 = arith.constant 0 : index
    %get3A_2 = vector.load %arg2[%get3A, %get3A_1] : memref<64x512xf32, #tpu.memory_space<vmem>>, vector<64x512xf32>
    %convert_element_type3A = arith.truncf %get3A_2 : vector<64x512xf32> to vector<64x512xbf16>
    %get3A_3 = arith.constant 0 : index
    %get3A_4 = arith.constant 0 : index
    %get3A_5 = vector.load %arg3[%get3A_3, %get3A_4] : memref<64x512xbf16, #tpu.memory_space<vmem>>, vector<64x512xbf16>
    %select_n3A = arith.select %lt3A_0, %convert_element_type3A, %get3A_5 : vector<64x512xbf16>
    %get3A_6 = arith.constant 0 : index
    %get3A_7 = arith.constant 0 : index
    %get3A_8 = vector.load %arg1[%get3A_6, %get3A_7] : memref<64x1024xbf16, #tpu.memory_space<vmem>>, vector<64x1024xbf16>
    %dot_general3A = arith.constant dense<0.000000e+00> : vector<1024x512xf32>
    %dot_general3A_9 = tpu.matmul %get3A_8, %select_n3A, %dot_general3A {dimension_numbers = #tpu.dot_dimension_numbers<[0], [0], [1], [1], [0, 1, 1, 1], [], []>, transpose_lhs_hint = false} : vector<64x1024xbf16>, vector<64x512xbf16>, vector<1024x512xf32> -> vector<1024x512xf32>
    %swap3A = arith.constant 0 : index
    %swap3A_10 = arith.constant 0 : index
    %swap3A_11 = vector.load %arg4[%swap3A, %swap3A_10] : memref<1024x512xf32, #tpu.memory_space<vmem>>, vector<1024x512xf32>
    tpu.vector_store %arg4[%swap3A, %swap3A_10], %dot_general3A_9 {strides = array<i32>} : memref<1024x512xf32, #tpu.memory_space<vmem>>, vector<1024x512xf32>,
    return
  }
  func.func @transform_0(%arg0: i32) -> (i32, i32) {
    %c0_i32 = arith.constant 0 : i32
    %c0_i32_0 = arith.constant 0 : i32
    %c0_i32_1 = arith.constant 0 : i32
    return %c0_i32, %c0_i32_0 : i32, i32
  }
  func.func @transform_1(%arg0: i32) -> (i32, i32) {
    %min3A = arith.constant 0 : i32
    %min3A_0 = arith.minsi %arg0, %min3A : i32
    %c0_i32 = arith.constant 0 : i32
    %c0_i32_1 = arith.constant 0 : i32
    return %c0_i32, %min3A_0 : i32, i32
  }
  func.func @transform_2(%arg0: i32) -> (i32, i32) {
    %add3A = arith.constant 1 : i32
    %add3A_0 = arith.addi %arg0, %add3A : i32
    %max3A = arith.constant 2 : i32
    %max3A_1 = arith.maxsi %add3A_0, %max3A : i32
    %c0_i32 = arith.constant 0 : i32
    %c0_i32_2 = arith.constant 0 : i32
    return %c0_i32, %max3A_1 : i32, i32
  }
  func.func @transform_3(%arg0: i32) -> (i32, i32) {
    %c0_i32 = arith.constant 0 : i32
    %c0_i32_0 = arith.constant 0 : i32
    return %c0_i32, %arg0 : i32, i32
  }
}

module attributes {stable_mosaic.version = 14 : i64} {
  func.func @_logits_body(%arg0: i32, %arg1: memref<512x128xf32, #tpu.memory_space<vmem>>, %arg2: memref<64x128xf32, #tpu.memory_space<vmem>>, %arg3: memref<64x1xf32, #tpu.memory_space<vmem>>, %arg4: memref<64x512xf32, #tpu.memory_space<vmem>>) attributes {dimension_semantics = [#tpu.dimension_semantics<arbitrary>], iteration_bounds = array<i64: 1>, scalar_prefetch = 0 : i64, scratch_operands = 0 : i64, tpu.core_type = #tpu.core_type<tc>, window_params = [{transform_indices = @transform_0, window_bounds = array<i64: 512, 128>}, {pipeline_mode = #tpu.pipeline_mode<synchronous>, transform_indices = @transform_1, window_bounds = array<i64: 64, 128>}, {pipeline_mode = #tpu.pipeline_mode<synchronous>, transform_indices = @transform_2, window_bounds = array<i64: 64, 1>}, {pipeline_mode = #tpu.pipeline_mode<synchronous>, transform_indices = @transform_3, window_bounds = array<i64: 64, 512>}]} {
    %get3A = arith.constant 0 : index
    %get3A_0 = arith.constant 0 : index
    %get3A_1 = vector.load %arg2[%get3A, %get3A_0] : memref<64x128xf32, #tpu.memory_space<vmem>>, vector<64x128xf32>
    %get3A_2 = arith.constant 0 : index
    %get3A_3 = arith.constant 0 : index
    %get3A_4 = vector.load %arg1[%get3A_2, %get3A_3] : memref<512x128xf32, #tpu.memory_space<vmem>>, vector<512x128xf32>
    %dot_general3A = arith.constant dense<0.000000e+00> : vector<64x512xf32>
    %dot_general3A_5 = tpu.matmul %get3A_1, %get3A_4, %dot_general3A {dimension_numbers = #tpu.dot_dimension_numbers<[1], [1], [0], [0], [0, 0, 1, 0], [], []>, transpose_lhs_hint = false} : vector<64x128xf32>, vector<512x128xf32>, vector<64x512xf32> -> vector<64x512xf32>
    %get3A_6 = arith.constant 0 : index
    %get3A_7 = arith.constant 0 : index
    %get3A_8 = vector.load %arg3[%get3A_6, %get3A_7] : memref<64x1xf32, #tpu.memory_space<vmem>>, vector<64x1xf32>
    %add3A = vector.broadcast %get3A_8 : vector<64x1xf32> to vector<64x512xf32>
    %add3A_9 = arith.addf %dot_general3A_5, %add3A : vector<64x512xf32>
    %swap3A = arith.constant 0 : index
    %swap3A_10 = arith.constant 0 : index
    %swap3A_11 = vector.load %arg4[%swap3A, %swap3A_10] : memref<64x512xf32, #tpu.memory_space<vmem>>, vector<64x512xf32>
    tpu.vector_store %arg4[%swap3A, %swap3A_10], %add3A_9 {strides = array<i32>} : memref<64x512xf32, #tpu.memory_space<vmem>>, vector<64x512xf32>,
    return
  }
  func.func @transform_0(%arg0: i32) -> (i32, i32) {
    %c0_i32 = arith.constant 0 : i32
    %c0_i32_0 = arith.constant 0 : i32
    %c0_i32_1 = arith.constant 0 : i32
    return %c0_i32, %c0_i32_0 : i32, i32
  }
  func.func @transform_1(%arg0: i32) -> (i32, i32) {
    %c0_i32 = arith.constant 0 : i32
    %c0_i32_0 = arith.constant 0 : i32
    %c0_i32_1 = arith.constant 0 : i32
    return %c0_i32, %c0_i32_0 : i32, i32
  }
  func.func @transform_2(%arg0: i32) -> (i32, i32) {
    %c0_i32 = arith.constant 0 : i32
    %c0_i32_0 = arith.constant 0 : i32
    %c0_i32_1 = arith.constant 0 : i32
    return %c0_i32, %c0_i32_0 : i32, i32
  }
  func.func @transform_3(%arg0: i32) -> (i32, i32) {
    %c0_i32 = arith.constant 0 : i32
    %c0_i32_0 = arith.constant 0 : i32
    %c0_i32_1 = arith.constant 0 : i32
    return %c0_i32, %c0_i32_0 : i32, i32
  }
}

module attributes {stable_mosaic.version = 14 : i64} {
  func.func @_rank_fused_body(%arg0: i32, %arg1: memref<512x128xf32, #tpu.memory_space<vmem>>, %arg2: memref<512x128xf32, #tpu.memory_space<vmem>>, %arg3: memref<64x128xf32, #tpu.memory_space<vmem>>, %arg4: memref<64x1xf32, #tpu.memory_space<vmem>>, %arg5: memref<64x512xbf16, #tpu.memory_space<vmem>>) attributes {dimension_semantics = [#tpu.dimension_semantics<arbitrary>], iteration_bounds = array<i64: 9>, scalar_prefetch = 0 : i64, scratch_operands = 0 : i64, tpu.core_type = #tpu.core_type<tc>, window_params = [{transform_indices = @transform_0, window_bounds = array<i64: 512, 128>}, {transform_indices = @transform_1, window_bounds = array<i64: 512, 128>}, {pipeline_mode = #tpu.pipeline_mode<synchronous>, transform_indices = @transform_2, window_bounds = array<i64: 64, 128>}, {pipeline_mode = #tpu.pipeline_mode<synchronous>, transform_indices = @transform_3, window_bounds = array<i64: 64, 1>}, {transform_indices = @transform_4, window_bounds = array<i64: 64, 512>}]} {
    %lt3A = arith.constant 2 : i32
    %lt3A_0 = arith.cmpi slt, %arg0, %lt3A : i32
    %get3A = arith.constant 0 : index
    %get3A_1 = arith.constant 0 : index
    %get3A_2 = vector.load %arg1[%get3A, %get3A_1] : memref<512x128xf32, #tpu.memory_space<vmem>>, vector<512x128xf32>
    %get3A_3 = arith.constant 0 : index
    %get3A_4 = arith.constant 0 : index
    %get3A_5 = vector.load %arg2[%get3A_3, %get3A_4] : memref<512x128xf32, #tpu.memory_space<vmem>>, vector<512x128xf32>
    %select_n3A = arith.select %lt3A_0, %get3A_2, %get3A_5 : vector<512x128xf32>
    %get3A_6 = arith.constant 0 : index
    %get3A_7 = arith.constant 0 : index
    %get3A_8 = vector.load %arg3[%get3A_6, %get3A_7] : memref<64x128xf32, #tpu.memory_space<vmem>>, vector<64x128xf32>
    %dot_general3A = arith.constant dense<0.000000e+00> : vector<64x512xf32>
    %dot_general3A_9 = tpu.matmul %get3A_8, %select_n3A, %dot_general3A {dimension_numbers = #tpu.dot_dimension_numbers<[1], [1], [0], [0], [0, 0, 1, 0], [], []>, transpose_lhs_hint = false} : vector<64x128xf32>, vector<512x128xf32>, vector<64x512xf32> -> vector<64x512xf32>
    %get3A_10 = arith.constant 0 : index
    %get3A_11 = arith.constant 0 : index
    %get3A_12 = vector.load %arg4[%get3A_10, %get3A_11] : memref<64x1xf32, #tpu.memory_space<vmem>>, vector<64x1xf32>
    %add3A = vector.broadcast %get3A_12 : vector<64x1xf32> to vector<64x512xf32>
    %add3A_13 = arith.addf %dot_general3A_9, %add3A : vector<64x512xf32>
    %broadcast_in_dim3A = arith.constant 1.000000e+00 : f32
    %broadcast_in_dim3A_14 = vector.broadcast %broadcast_in_dim3A : f32 to vector<64x512xf32>
    %slice3A = vector.extract_strided_slice %add3A_13 {offsets = [0, 0], sizes = [1, 512], strides = [1, 1]} : vector<64x512xf32> to vector<1x512xf32>
    %gt3A = vector.broadcast %slice3A : vector<1x512xf32> to vector<64x512xf32>
    %gt3A_15 = arith.cmpf ogt, %gt3A, %add3A_13 : vector<64x512xf32>
    %convert_element_type3A = arith.extui %gt3A_15 : vector<64x512xi1> to vector<64x512xi32>
    %convert_element_type3A_16 = arith.sitofp %convert_element_type3A : vector<64x512xi32> to vector<64x512xf32>
    %add3A_17 = arith.addf %broadcast_in_dim3A_14, %convert_element_type3A_16 : vector<64x512xf32>
    %slice3A_18 = vector.extract_strided_slice %add3A_13 {offsets = [1, 0], sizes = [1, 512], strides = [1, 1]} : vector<64x512xf32> to vector<1x512xf32>
    %gt3A_19 = vector.broadcast %slice3A_18 : vector<1x512xf32> to vector<64x512xf32>
    %gt3A_20 = arith.cmpf ogt, %gt3A_19, %add3A_13 : vector<64x512xf32>
    %convert_element_type3A_21 = arith.extui %gt3A_20 : vector<64x512xi1> to vector<64x512xi32>
    %convert_element_type3A_22 = arith.sitofp %convert_element_type3A_21 : vector<64x512xi32> to vector<64x512xf32>
    %add3A_23 = arith.addf %add3A_17, %convert_element_type3A_22 : vector<64x512xf32>
    %slice3A_24 = vector.extract_strided_slice %add3A_13 {offsets = [2, 0], sizes = [1, 512], strides = [1, 1]} : vector<64x512xf32> to vector<1x512xf32>
    %gt3A_25 = vector.broadcast %slice3A_24 : vector<1x512xf32> to vector<64x512xf32>
    %gt3A_26 = arith.cmpf ogt, %gt3A_25, %add3A_13 : vector<64x512xf32>
    %convert_element_type3A_27 = arith.extui %gt3A_26 : vector<64x512xi1> to vector<64x512xi32>
    %convert_element_type3A_28 = arith.sitofp %convert_element_type3A_27 : vector<64x512xi32> to vector<64x512xf32>
    %add3A_29 = arith.addf %add3A_23, %convert_element_type3A_28 : vector<64x512xf32>
    %slice3A_30 = vector.extract_strided_slice %add3A_13 {offsets = [3, 0], sizes = [1, 512], strides = [1, 1]} : vector<64x512xf32> to vector<1x512xf32>
    %gt3A_31 = vector.broadcast %slice3A_30 : vector<1x512xf32> to vector<64x512xf32>
    %gt3A_32 = arith.cmpf ogt, %gt3A_31, %add3A_13 : vector<64x512xf32>
    %convert_element_type3A_33 = arith.extui %gt3A_32 : vector<64x512xi1> to vector<64x512xi32>
    %convert_element_type3A_34 = arith.sitofp %convert_element_type3A_33 : vector<64x512xi32> to vector<64x512xf32>
    %add3A_35 = arith.addf %add3A_29, %convert_element_type3A_34 : vector<64x512xf32>
    %slice3A_36 = vector.extract_strided_slice %add3A_13 {offsets = [4, 0], sizes = [1, 512], strides = [1, 1]} : vector<64x512xf32> to vector<1x512xf32>
    %gt3A_37 = vector.broadcast %slice3A_36 : vector<1x512xf32> to vector<64x512xf32>
    %gt3A_38 = arith.cmpf ogt, %gt3A_37, %add3A_13 : vector<64x512xf32>
    %convert_element_type3A_39 = arith.extui %gt3A_38 : vector<64x512xi1> to vector<64x512xi32>
    %convert_element_type3A_40 = arith.sitofp %convert_element_type3A_39 : vector<64x512xi32> to vector<64x512xf32>
    %add3A_41 = arith.addf %add3A_35, %convert_element_type3A_40 : vector<64x512xf32>
    %slice3A_42 = vector.extract_strided_slice %add3A_13 {offsets = [5, 0], sizes = [1, 512], strides = [1, 1]} : vector<64x512xf32> to vector<1x512xf32>
    %gt3A_43 = vector.broadcast %slice3A_42 : vector<1x512xf32> to vector<64x512xf32>
    %gt3A_44 = arith.cmpf ogt, %gt3A_43, %add3A_13 : vector<64x512xf32>
    %convert_element_type3A_45 = arith.extui %gt3A_44 : vector<64x512xi1> to vector<64x512xi32>
    %convert_element_type3A_46 = arith.sitofp %convert_element_type3A_45 : vector<64x512xi32> to vector<64x512xf32>
    %add3A_47 = arith.addf %add3A_41, %convert_element_type3A_46 : vector<64x512xf32>
    %slice3A_48 = vector.extract_strided_slice %add3A_13 {offsets = [6, 0], sizes = [1, 512], strides = [1, 1]} : vector<64x512xf32> to vector<1x512xf32>
    %gt3A_49 = vector.broadcast %slice3A_48 : vector<1x512xf32> to vector<64x512xf32>
    %gt3A_50 = arith.cmpf ogt, %gt3A_49, %add3A_13 : vector<64x512xf32>
    %convert_element_type3A_51 = arith.extui %gt3A_50 : vector<64x512xi1> to vector<64x512xi32>
    %convert_element_type3A_52 = arith.sitofp %convert_element_type3A_51 : vector<64x512xi32> to vector<64x512xf32>
    %add3A_53 = arith.addf %add3A_47, %convert_element_type3A_52 : vector<64x512xf32>
    %slice3A_54 = vector.extract_strided_slice %add3A_13 {offsets = [7, 0], sizes = [1, 512], strides = [1, 1]} : vector<64x512xf32> to vector<1x512xf32>
    %gt3A_55 = vector.broadcast %slice3A_54 : vector<1x512xf32> to vector<64x512xf32>
    %gt3A_56 = arith.cmpf ogt, %gt3A_55, %add3A_13 : vector<64x512xf32>
    %convert_element_type3A_57 = arith.extui %gt3A_56 : vector<64x512xi1> to vector<64x512xi32>
    %convert_element_type3A_58 = arith.sitofp %convert_element_type3A_57 : vector<64x512xi32> to vector<64x512xf32>
    %add3A_59 = arith.addf %add3A_53, %convert_element_type3A_58 : vector<64x512xf32>
    %slice3A_60 = vector.extract_strided_slice %add3A_13 {offsets = [8, 0], sizes = [1, 512], strides = [1, 1]} : vector<64x512xf32> to vector<1x512xf32>
    %gt3A_61 = vector.broadcast %slice3A_60 : vector<1x512xf32> to vector<64x512xf32>
    %gt3A_62 = arith.cmpf ogt, %gt3A_61, %add3A_13 : vector<64x512xf32>
    %convert_element_type3A_63 = arith.extui %gt3A_62 : vector<64x512xi1> to vector<64x512xi32>
    %convert_element_type3A_64 = arith.sitofp %convert_element_type3A_63 : vector<64x512xi32> to vector<64x512xf32>
    %add3A_65 = arith.addf %add3A_59, %convert_element_type3A_64 : vector<64x512xf32>
    %slice3A_66 = vector.extract_strided_slice %add3A_13 {offsets = [9, 0], sizes = [1, 512], strides = [1, 1]} : vector<64x512xf32> to vector<1x512xf32>
    %gt3A_67 = vector.broadcast %slice3A_66 : vector<1x512xf32> to vector<64x512xf32>
    %gt3A_68 = arith.cmpf ogt, %gt3A_67, %add3A_13 : vector<64x512xf32>
    %convert_element_type3A_69 = arith.extui %gt3A_68 : vector<64x512xi1> to vector<64x512xi32>
    %convert_element_type3A_70 = arith.sitofp %convert_element_type3A_69 : vector<64x512xi32> to vector<64x512xf32>
    %add3A_71 = arith.addf %add3A_65, %convert_element_type3A_70 : vector<64x512xf32>
    %slice3A_72 = vector.extract_strided_slice %add3A_13 {offsets = [10, 0], sizes = [1, 512], strides = [1, 1]} : vector<64x512xf32> to vector<1x512xf32>
    %gt3A_73 = vector.broadcast %slice3A_72 : vector<1x512xf32> to vector<64x512xf32>
    %gt3A_74 = arith.cmpf ogt, %gt3A_73, %add3A_13 : vector<64x512xf32>
    %convert_element_type3A_75 = arith.extui %gt3A_74 : vector<64x512xi1> to vector<64x512xi32>
    %convert_element_type3A_76 = arith.sitofp %convert_element_type3A_75 : vector<64x512xi32> to vector<64x512xf32>
    %add3A_77 = arith.addf %add3A_71, %convert_element_type3A_76 : vector<64x512xf32>
    %slice3A_78 = vector.extract_strided_slice %add3A_13 {offsets = [11, 0], sizes = [1, 512], strides = [1, 1]} : vector<64x512xf32> to vector<1x512xf32>
    %gt3A_79 = vector.broadcast %slice3A_78 : vector<1x512xf32> to vector<64x512xf32>
    %gt3A_80 = arith.cmpf ogt, %gt3A_79, %add3A_13 : vector<64x512xf32>
    %convert_element_type3A_81 = arith.extui %gt3A_80 : vector<64x512xi1> to vector<64x512xi32>
    %convert_element_type3A_82 = arith.sitofp %convert_element_type3A_81 : vector<64x512xi32> to vector<64x512xf32>
    %add3A_83 = arith.addf %add3A_77, %convert_element_type3A_82 : vector<64x512xf32>
    %slice3A_84 = vector.extract_strided_slice %add3A_13 {offsets = [12, 0], sizes = [1, 512], strides = [1, 1]} : vector<64x512xf32> to vector<1x512xf32>
    %gt3A_85 = vector.broadcast %slice3A_84 : vector<1x512xf32> to vector<64x512xf32>
    %gt3A_86 = arith.cmpf ogt, %gt3A_85, %add3A_13 : vector<64x512xf32>
    %convert_element_type3A_87 = arith.extui %gt3A_86 : vector<64x512xi1> to vector<64x512xi32>
    %convert_element_type3A_88 = arith.sitofp %convert_element_type3A_87 : vector<64x512xi32> to vector<64x512xf32>
    %add3A_89 = arith.addf %add3A_83, %convert_element_type3A_88 : vector<64x512xf32>
    %slice3A_90 = vector.extract_strided_slice %add3A_13 {offsets = [13, 0], sizes = [1, 512], strides = [1, 1]} : vector<64x512xf32> to vector<1x512xf32>
    %gt3A_91 = vector.broadcast %slice3A_90 : vector<1x512xf32> to vector<64x512xf32>
    %gt3A_92 = arith.cmpf ogt, %gt3A_91, %add3A_13 : vector<64x512xf32>
    %convert_element_type3A_93 = arith.extui %gt3A_92 : vector<64x512xi1> to vector<64x512xi32>
    %convert_element_type3A_94 = arith.sitofp %convert_element_type3A_93 : vector<64x512xi32> to vector<64x512xf32>
    %add3A_95 = arith.addf %add3A_89, %convert_element_type3A_94 : vector<64x512xf32>
    %slice3A_96 = vector.extract_strided_slice %add3A_13 {offsets = [14, 0], sizes = [1, 512], strides = [1, 1]} : vector<64x512xf32> to vector<1x512xf32>
    %gt3A_97 = vector.broadcast %slice3A_96 : vector<1x512xf32> to vector<64x512xf32>
    %gt3A_98 = arith.cmpf ogt, %gt3A_97, %add3A_13 : vector<64x512xf32>
    %convert_element_type3A_99 = arith.extui %gt3A_98 : vector<64x512xi1> to vector<64x512xi32>
    %convert_element_type3A_100 = arith.sitofp %convert_element_type3A_99 : vector<64x512xi32> to vector<64x512xf32>
    %add3A_101 = arith.addf %add3A_95, %convert_element_type3A_100 : vector<64x512xf32>
    %slice3A_102 = vector.extract_strided_slice %add3A_13 {offsets = [15, 0], sizes = [1, 512], strides = [1, 1]} : vector<64x512xf32> to vector<1x512xf32>
    %gt3A_103 = vector.broadcast %slice3A_102 : vector<1x512xf32> to vector<64x512xf32>
    %gt3A_104 = arith.cmpf ogt, %gt3A_103, %add3A_13 : vector<64x512xf32>
    %convert_element_type3A_105 = arith.extui %gt3A_104 : vector<64x512xi1> to vector<64x512xi32>
    %convert_element_type3A_106 = arith.sitofp %convert_element_type3A_105 : vector<64x512xi32> to vector<64x512xf32>
    %add3A_107 = arith.addf %add3A_101, %convert_element_type3A_106 : vector<64x512xf32>
    %slice3A_108 = vector.extract_strided_slice %add3A_13 {offsets = [16, 0], sizes = [1, 512], strides = [1, 1]} : vector<64x512xf32> to vector<1x512xf32>
    %gt3A_109 = vector.broadcast %slice3A_108 : vector<1x512xf32> to vector<64x512xf32>
    %gt3A_110 = arith.cmpf ogt, %gt3A_109, %add3A_13 : vector<64x512xf32>
    %convert_element_type3A_111 = arith.extui %gt3A_110 : vector<64x512xi1> to vector<64x512xi32>
    %convert_element_type3A_112 = arith.sitofp %convert_element_type3A_111 : vector<64x512xi32> to vector<64x512xf32>
    %add3A_113 = arith.addf %add3A_107, %convert_element_type3A_112 : vector<64x512xf32>
    %slice3A_114 = vector.extract_strided_slice %add3A_13 {offsets = [17, 0], sizes = [1, 512], strides = [1, 1]} : vector<64x512xf32> to vector<1x512xf32>
    %gt3A_115 = vector.broadcast %slice3A_114 : vector<1x512xf32> to vector<64x512xf32>
    %gt3A_116 = arith.cmpf ogt, %gt3A_115, %add3A_13 : vector<64x512xf32>
    %convert_element_type3A_117 = arith.extui %gt3A_116 : vector<64x512xi1> to vector<64x512xi32>
    %convert_element_type3A_118 = arith.sitofp %convert_element_type3A_117 : vector<64x512xi32> to vector<64x512xf32>
    %add3A_119 = arith.addf %add3A_113, %convert_element_type3A_118 : vector<64x512xf32>
    %slice3A_120 = vector.extract_strided_slice %add3A_13 {offsets = [18, 0], sizes = [1, 512], strides = [1, 1]} : vector<64x512xf32> to vector<1x512xf32>
    %gt3A_121 = vector.broadcast %slice3A_120 : vector<1x512xf32> to vector<64x512xf32>
    %gt3A_122 = arith.cmpf ogt, %gt3A_121, %add3A_13 : vector<64x512xf32>
    %convert_element_type3A_123 = arith.extui %gt3A_122 : vector<64x512xi1> to vector<64x512xi32>
    %convert_element_type3A_124 = arith.sitofp %convert_element_type3A_123 : vector<64x512xi32> to vector<64x512xf32>
    %add3A_125 = arith.addf %add3A_119, %convert_element_type3A_124 : vector<64x512xf32>
    %slice3A_126 = vector.extract_strided_slice %add3A_13 {offsets = [19, 0], sizes = [1, 512], strides = [1, 1]} : vector<64x512xf32> to vector<1x512xf32>
    %gt3A_127 = vector.broadcast %slice3A_126 : vector<1x512xf32> to vector<64x512xf32>
    %gt3A_128 = arith.cmpf ogt, %gt3A_127, %add3A_13 : vector<64x512xf32>
    %convert_element_type3A_129 = arith.extui %gt3A_128 : vector<64x512xi1> to vector<64x512xi32>
    %convert_element_type3A_130 = arith.sitofp %convert_element_type3A_129 : vector<64x512xi32> to vector<64x512xf32>
    %add3A_131 = arith.addf %add3A_125, %convert_element_type3A_130 : vector<64x512xf32>
    %slice3A_132 = vector.extract_strided_slice %add3A_13 {offsets = [20, 0], sizes = [1, 512], strides = [1, 1]} : vector<64x512xf32> to vector<1x512xf32>
    %gt3A_133 = vector.broadcast %slice3A_132 : vector<1x512xf32> to vector<64x512xf32>
    %gt3A_134 = arith.cmpf ogt, %gt3A_133, %add3A_13 : vector<64x512xf32>
    %convert_element_type3A_135 = arith.extui %gt3A_134 : vector<64x512xi1> to vector<64x512xi32>
    %convert_element_type3A_136 = arith.sitofp %convert_element_type3A_135 : vector<64x512xi32> to vector<64x512xf32>
    %add3A_137 = arith.addf %add3A_131, %convert_element_type3A_136 : vector<64x512xf32>
    %slice3A_138 = vector.extract_strided_slice %add3A_13 {offsets = [21, 0], sizes = [1, 512], strides = [1, 1]} : vector<64x512xf32> to vector<1x512xf32>
    %gt3A_139 = vector.broadcast %slice3A_138 : vector<1x512xf32> to vector<64x512xf32>
    %gt3A_140 = arith.cmpf ogt, %gt3A_139, %add3A_13 : vector<64x512xf32>
    %convert_element_type3A_141 = arith.extui %gt3A_140 : vector<64x512xi1> to vector<64x512xi32>
    %convert_element_type3A_142 = arith.sitofp %convert_element_type3A_141 : vector<64x512xi32> to vector<64x512xf32>
    %add3A_143 = arith.addf %add3A_137, %convert_element_type3A_142 : vector<64x512xf32>
    %slice3A_144 = vector.extract_strided_slice %add3A_13 {offsets = [22, 0], sizes = [1, 512], strides = [1, 1]} : vector<64x512xf32> to vector<1x512xf32>
    %gt3A_145 = vector.broadcast %slice3A_144 : vector<1x512xf32> to vector<64x512xf32>
    %gt3A_146 = arith.cmpf ogt, %gt3A_145, %add3A_13 : vector<64x512xf32>
    %convert_element_type3A_147 = arith.extui %gt3A_146 : vector<64x512xi1> to vector<64x512xi32>
    %convert_element_type3A_148 = arith.sitofp %convert_element_type3A_147 : vector<64x512xi32> to vector<64x512xf32>
    %add3A_149 = arith.addf %add3A_143, %convert_element_type3A_148 : vector<64x512xf32>
    %slice3A_150 = vector.extract_strided_slice %add3A_13 {offsets = [23, 0], sizes = [1, 512], strides = [1, 1]} : vector<64x512xf32> to vector<1x512xf32>
    %gt3A_151 = vector.broadcast %slice3A_150 : vector<1x512xf32> to vector<64x512xf32>
    %gt3A_152 = arith.cmpf ogt, %gt3A_151, %add3A_13 : vector<64x512xf32>
    %convert_element_type3A_153 = arith.extui %gt3A_152 : vector<64x512xi1> to vector<64x512xi32>
    %convert_element_type3A_154 = arith.sitofp %convert_element_type3A_153 : vector<64x512xi32> to vector<64x512xf32>
    %add3A_155 = arith.addf %add3A_149, %convert_element_type3A_154 : vector<64x512xf32>
    %slice3A_156 = vector.extract_strided_slice %add3A_13 {offsets = [24, 0], sizes = [1, 512], strides = [1, 1]} : vector<64x512xf32> to vector<1x512xf32>
    %gt3A_157 = vector.broadcast %slice3A_156 : vector<1x512xf32> to vector<64x512xf32>
    %gt3A_158 = arith.cmpf ogt, %gt3A_157, %add3A_13 : vector<64x512xf32>
    %convert_element_type3A_159 = arith.extui %gt3A_158 : vector<64x512xi1> to vector<64x512xi32>
    %convert_element_type3A_160 = arith.sitofp %convert_element_type3A_159 : vector<64x512xi32> to vector<64x512xf32>
    %add3A_161 = arith.addf %add3A_155, %convert_element_type3A_160 : vector<64x512xf32>
    %slice3A_162 = vector.extract_strided_slice %add3A_13 {offsets = [25, 0], sizes = [1, 512], strides = [1, 1]} : vector<64x512xf32> to vector<1x512xf32>
    %gt3A_163 = vector.broadcast %slice3A_162 : vector<1x512xf32> to vector<64x512xf32>
    %gt3A_164 = arith.cmpf ogt, %gt3A_163, %add3A_13 : vector<64x512xf32>
    %convert_element_type3A_165 = arith.extui %gt3A_164 : vector<64x512xi1> to vector<64x512xi32>
    %convert_element_type3A_166 = arith.sitofp %convert_element_type3A_165 : vector<64x512xi32> to vector<64x512xf32>
    %add3A_167 = arith.addf %add3A_161, %convert_element_type3A_166 : vector<64x512xf32>
    %slice3A_168 = vector.extract_strided_slice %add3A_13 {offsets = [26, 0], sizes = [1, 512], strides = [1, 1]} : vector<64x512xf32> to vector<1x512xf32>
    %gt3A_169 = vector.broadcast %slice3A_168 : vector<1x512xf32> to vector<64x512xf32>
    %gt3A_170 = arith.cmpf ogt, %gt3A_169, %add3A_13 : vector<64x512xf32>
    %convert_element_type3A_171 = arith.extui %gt3A_170 : vector<64x512xi1> to vector<64x512xi32>
    %convert_element_type3A_172 = arith.sitofp %convert_element_type3A_171 : vector<64x512xi32> to vector<64x512xf32>
    %add3A_173 = arith.addf %add3A_167, %convert_element_type3A_172 : vector<64x512xf32>
    %slice3A_174 = vector.extract_strided_slice %add3A_13 {offsets = [27, 0], sizes = [1, 512], strides = [1, 1]} : vector<64x512xf32> to vector<1x512xf32>
    %gt3A_175 = vector.broadcast %slice3A_174 : vector<1x512xf32> to vector<64x512xf32>
    %gt3A_176 = arith.cmpf ogt, %gt3A_175, %add3A_13 : vector<64x512xf32>
    %convert_element_type3A_177 = arith.extui %gt3A_176 : vector<64x512xi1> to vector<64x512xi32>
    %convert_element_type3A_178 = arith.sitofp %convert_element_type3A_177 : vector<64x512xi32> to vector<64x512xf32>
    %add3A_179 = arith.addf %add3A_173, %convert_element_type3A_178 : vector<64x512xf32>
    %slice3A_180 = vector.extract_strided_slice %add3A_13 {offsets = [28, 0], sizes = [1, 512], strides = [1, 1]} : vector<64x512xf32> to vector<1x512xf32>
    %gt3A_181 = vector.broadcast %slice3A_180 : vector<1x512xf32> to vector<64x512xf32>
    %gt3A_182 = arith.cmpf ogt, %gt3A_181, %add3A_13 : vector<64x512xf32>
    %convert_element_type3A_183 = arith.extui %gt3A_182 : vector<64x512xi1> to vector<64x512xi32>
    %convert_element_type3A_184 = arith.sitofp %convert_element_type3A_183 : vector<64x512xi32> to vector<64x512xf32>
    %add3A_185 = arith.addf %add3A_179, %convert_element_type3A_184 : vector<64x512xf32>
    %slice3A_186 = vector.extract_strided_slice %add3A_13 {offsets = [29, 0], sizes = [1, 512], strides = [1, 1]} : vector<64x512xf32> to vector<1x512xf32>
    %gt3A_187 = vector.broadcast %slice3A_186 : vector<1x512xf32> to vector<64x512xf32>
    %gt3A_188 = arith.cmpf ogt, %gt3A_187, %add3A_13 : vector<64x512xf32>
    %convert_element_type3A_189 = arith.extui %gt3A_188 : vector<64x512xi1> to vector<64x512xi32>
    %convert_element_type3A_190 = arith.sitofp %convert_element_type3A_189 : vector<64x512xi32> to vector<64x512xf32>
    %add3A_191 = arith.addf %add3A_185, %convert_element_type3A_190 : vector<64x512xf32>
    %slice3A_192 = vector.extract_strided_slice %add3A_13 {offsets = [30, 0], sizes = [1, 512], strides = [1, 1]} : vector<64x512xf32> to vector<1x512xf32>
    %gt3A_193 = vector.broadcast %slice3A_192 : vector<1x512xf32> to vector<64x512xf32>
    %gt3A_194 = arith.cmpf ogt, %gt3A_193, %add3A_13 : vector<64x512xf32>
    %convert_element_type3A_195 = arith.extui %gt3A_194 : vector<64x512xi1> to vector<64x512xi32>
    %convert_element_type3A_196 = arith.sitofp %convert_element_type3A_195 : vector<64x512xi32> to vector<64x512xf32>
    %add3A_197 = arith.addf %add3A_191, %convert_element_type3A_196 : vector<64x512xf32>
    %slice3A_198 = vector.extract_strided_slice %add3A_13 {offsets = [31, 0], sizes = [1, 512], strides = [1, 1]} : vector<64x512xf32> to vector<1x512xf32>
    %gt3A_199 = vector.broadcast %slice3A_198 : vector<1x512xf32> to vector<64x512xf32>
    %gt3A_200 = arith.cmpf ogt, %gt3A_199, %add3A_13 : vector<64x512xf32>
    %convert_element_type3A_201 = arith.extui %gt3A_200 : vector<64x512xi1> to vector<64x512xi32>
    %convert_element_type3A_202 = arith.sitofp %convert_element_type3A_201 : vector<64x512xi32> to vector<64x512xf32>
    %add3A_203 = arith.addf %add3A_197, %convert_element_type3A_202 : vector<64x512xf32>
    %slice3A_204 = vector.extract_strided_slice %add3A_13 {offsets = [32, 0], sizes = [1, 512], strides = [1, 1]} : vector<64x512xf32> to vector<1x512xf32>
    %gt3A_205 = vector.broadcast %slice3A_204 : vector<1x512xf32> to vector<64x512xf32>
    %gt3A_206 = arith.cmpf ogt, %gt3A_205, %add3A_13 : vector<64x512xf32>
    %convert_element_type3A_207 = arith.extui %gt3A_206 : vector<64x512xi1> to vector<64x512xi32>
    %convert_element_type3A_208 = arith.sitofp %convert_element_type3A_207 : vector<64x512xi32> to vector<64x512xf32>
    %add3A_209 = arith.addf %add3A_203, %convert_element_type3A_208 : vector<64x512xf32>
    %slice3A_210 = vector.extract_strided_slice %add3A_13 {offsets = [33, 0], sizes = [1, 512], strides = [1, 1]} : vector<64x512xf32> to vector<1x512xf32>
    %gt3A_211 = vector.broadcast %slice3A_210 : vector<1x512xf32> to vector<64x512xf32>
    %gt3A_212 = arith.cmpf ogt, %gt3A_211, %add3A_13 : vector<64x512xf32>
    %convert_element_type3A_213 = arith.extui %gt3A_212 : vector<64x512xi1> to vector<64x512xi32>
    %convert_element_type3A_214 = arith.sitofp %convert_element_type3A_213 : vector<64x512xi32> to vector<64x512xf32>
    %add3A_215 = arith.addf %add3A_209, %convert_element_type3A_214 : vector<64x512xf32>
    %slice3A_216 = vector.extract_strided_slice %add3A_13 {offsets = [34, 0], sizes = [1, 512], strides = [1, 1]} : vector<64x512xf32> to vector<1x512xf32>
    %gt3A_217 = vector.broadcast %slice3A_216 : vector<1x512xf32> to vector<64x512xf32>
    %gt3A_218 = arith.cmpf ogt, %gt3A_217, %add3A_13 : vector<64x512xf32>
    %convert_element_type3A_219 = arith.extui %gt3A_218 : vector<64x512xi1> to vector<64x512xi32>
    %convert_element_type3A_220 = arith.sitofp %convert_element_type3A_219 : vector<64x512xi32> to vector<64x512xf32>
    %add3A_221 = arith.addf %add3A_215, %convert_element_type3A_220 : vector<64x512xf32>
    %slice3A_222 = vector.extract_strided_slice %add3A_13 {offsets = [35, 0], sizes = [1, 512], strides = [1, 1]} : vector<64x512xf32> to vector<1x512xf32>
    %gt3A_223 = vector.broadcast %slice3A_222 : vector<1x512xf32> to vector<64x512xf32>
    %gt3A_224 = arith.cmpf ogt, %gt3A_223, %add3A_13 : vector<64x512xf32>
    %convert_element_type3A_225 = arith.extui %gt3A_224 : vector<64x512xi1> to vector<64x512xi32>
    %convert_element_type3A_226 = arith.sitofp %convert_element_type3A_225 : vector<64x512xi32> to vector<64x512xf32>
    %add3A_227 = arith.addf %add3A_221, %convert_element_type3A_226 : vector<64x512xf32>
    %slice3A_228 = vector.extract_strided_slice %add3A_13 {offsets = [36, 0], sizes = [1, 512], strides = [1, 1]} : vector<64x512xf32> to vector<1x512xf32>
    %gt3A_229 = vector.broadcast %slice3A_228 : vector<1x512xf32> to vector<64x512xf32>
    %gt3A_230 = arith.cmpf ogt, %gt3A_229, %add3A_13 : vector<64x512xf32>
    %convert_element_type3A_231 = arith.extui %gt3A_230 : vector<64x512xi1> to vector<64x512xi32>
    %convert_element_type3A_232 = arith.sitofp %convert_element_type3A_231 : vector<64x512xi32> to vector<64x512xf32>
    %add3A_233 = arith.addf %add3A_227, %convert_element_type3A_232 : vector<64x512xf32>
    %slice3A_234 = vector.extract_strided_slice %add3A_13 {offsets = [37, 0], sizes = [1, 512], strides = [1, 1]} : vector<64x512xf32> to vector<1x512xf32>
    %gt3A_235 = vector.broadcast %slice3A_234 : vector<1x512xf32> to vector<64x512xf32>
    %gt3A_236 = arith.cmpf ogt, %gt3A_235, %add3A_13 : vector<64x512xf32>
    %convert_element_type3A_237 = arith.extui %gt3A_236 : vector<64x512xi1> to vector<64x512xi32>
    %convert_element_type3A_238 = arith.sitofp %convert_element_type3A_237 : vector<64x512xi32> to vector<64x512xf32>
    %add3A_239 = arith.addf %add3A_233, %convert_element_type3A_238 : vector<64x512xf32>
    %slice3A_240 = vector.extract_strided_slice %add3A_13 {offsets = [38, 0], sizes = [1, 512], strides = [1, 1]} : vector<64x512xf32> to vector<1x512xf32>
    %gt3A_241 = vector.broadcast %slice3A_240 : vector<1x512xf32> to vector<64x512xf32>
    %gt3A_242 = arith.cmpf ogt, %gt3A_241, %add3A_13 : vector<64x512xf32>
    %convert_element_type3A_243 = arith.extui %gt3A_242 : vector<64x512xi1> to vector<64x512xi32>
    %convert_element_type3A_244 = arith.sitofp %convert_element_type3A_243 : vector<64x512xi32> to vector<64x512xf32>
    %add3A_245 = arith.addf %add3A_239, %convert_element_type3A_244 : vector<64x512xf32>
    %slice3A_246 = vector.extract_strided_slice %add3A_13 {offsets = [39, 0], sizes = [1, 512], strides = [1, 1]} : vector<64x512xf32> to vector<1x512xf32>
    %gt3A_247 = vector.broadcast %slice3A_246 : vector<1x512xf32> to vector<64x512xf32>
    %gt3A_248 = arith.cmpf ogt, %gt3A_247, %add3A_13 : vector<64x512xf32>
    %convert_element_type3A_249 = arith.extui %gt3A_248 : vector<64x512xi1> to vector<64x512xi32>
    %convert_element_type3A_250 = arith.sitofp %convert_element_type3A_249 : vector<64x512xi32> to vector<64x512xf32>
    %add3A_251 = arith.addf %add3A_245, %convert_element_type3A_250 : vector<64x512xf32>
    %slice3A_252 = vector.extract_strided_slice %add3A_13 {offsets = [40, 0], sizes = [1, 512], strides = [1, 1]} : vector<64x512xf32> to vector<1x512xf32>
    %gt3A_253 = vector.broadcast %slice3A_252 : vector<1x512xf32> to vector<64x512xf32>
    %gt3A_254 = arith.cmpf ogt, %gt3A_253, %add3A_13 : vector<64x512xf32>
    %convert_element_type3A_255 = arith.extui %gt3A_254 : vector<64x512xi1> to vector<64x512xi32>
    %convert_element_type3A_256 = arith.sitofp %convert_element_type3A_255 : vector<64x512xi32> to vector<64x512xf32>
    %add3A_257 = arith.addf %add3A_251, %convert_element_type3A_256 : vector<64x512xf32>
    %slice3A_258 = vector.extract_strided_slice %add3A_13 {offsets = [41, 0], sizes = [1, 512], strides = [1, 1]} : vector<64x512xf32> to vector<1x512xf32>
    %gt3A_259 = vector.broadcast %slice3A_258 : vector<1x512xf32> to vector<64x512xf32>
    %gt3A_260 = arith.cmpf ogt, %gt3A_259, %add3A_13 : vector<64x512xf32>
    %convert_element_type3A_261 = arith.extui %gt3A_260 : vector<64x512xi1> to vector<64x512xi32>
    %convert_element_type3A_262 = arith.sitofp %convert_element_type3A_261 : vector<64x512xi32> to vector<64x512xf32>
    %add3A_263 = arith.addf %add3A_257, %convert_element_type3A_262 : vector<64x512xf32>
    %slice3A_264 = vector.extract_strided_slice %add3A_13 {offsets = [42, 0], sizes = [1, 512], strides = [1, 1]} : vector<64x512xf32> to vector<1x512xf32>
    %gt3A_265 = vector.broadcast %slice3A_264 : vector<1x512xf32> to vector<64x512xf32>
    %gt3A_266 = arith.cmpf ogt, %gt3A_265, %add3A_13 : vector<64x512xf32>
    %convert_element_type3A_267 = arith.extui %gt3A_266 : vector<64x512xi1> to vector<64x512xi32>
    %convert_element_type3A_268 = arith.sitofp %convert_element_type3A_267 : vector<64x512xi32> to vector<64x512xf32>
    %add3A_269 = arith.addf %add3A_263, %convert_element_type3A_268 : vector<64x512xf32>
    %slice3A_270 = vector.extract_strided_slice %add3A_13 {offsets = [43, 0], sizes = [1, 512], strides = [1, 1]} : vector<64x512xf32> to vector<1x512xf32>
    %gt3A_271 = vector.broadcast %slice3A_270 : vector<1x512xf32> to vector<64x512xf32>
    %gt3A_272 = arith.cmpf ogt, %gt3A_271, %add3A_13 : vector<64x512xf32>
    %convert_element_type3A_273 = arith.extui %gt3A_272 : vector<64x512xi1> to vector<64x512xi32>
    %convert_element_type3A_274 = arith.sitofp %convert_element_type3A_273 : vector<64x512xi32> to vector<64x512xf32>
    %add3A_275 = arith.addf %add3A_269, %convert_element_type3A_274 : vector<64x512xf32>
    %slice3A_276 = vector.extract_strided_slice %add3A_13 {offsets = [44, 0], sizes = [1, 512], strides = [1, 1]} : vector<64x512xf32> to vector<1x512xf32>
    %gt3A_277 = vector.broadcast %slice3A_276 : vector<1x512xf32> to vector<64x512xf32>
    %gt3A_278 = arith.cmpf ogt, %gt3A_277, %add3A_13 : vector<64x512xf32>
    %convert_element_type3A_279 = arith.extui %gt3A_278 : vector<64x512xi1> to vector<64x512xi32>
    %convert_element_type3A_280 = arith.sitofp %convert_element_type3A_279 : vector<64x512xi32> to vector<64x512xf32>
    %add3A_281 = arith.addf %add3A_275, %convert_element_type3A_280 : vector<64x512xf32>
    %slice3A_282 = vector.extract_strided_slice %add3A_13 {offsets = [45, 0], sizes = [1, 512], strides = [1, 1]} : vector<64x512xf32> to vector<1x512xf32>
    %gt3A_283 = vector.broadcast %slice3A_282 : vector<1x512xf32> to vector<64x512xf32>
    %gt3A_284 = arith.cmpf ogt, %gt3A_283, %add3A_13 : vector<64x512xf32>
    %convert_element_type3A_285 = arith.extui %gt3A_284 : vector<64x512xi1> to vector<64x512xi32>
    %convert_element_type3A_286 = arith.sitofp %convert_element_type3A_285 : vector<64x512xi32> to vector<64x512xf32>
    %add3A_287 = arith.addf %add3A_281, %convert_element_type3A_286 : vector<64x512xf32>
    %slice3A_288 = vector.extract_strided_slice %add3A_13 {offsets = [46, 0], sizes = [1, 512], strides = [1, 1]} : vector<64x512xf32> to vector<1x512xf32>
    %gt3A_289 = vector.broadcast %slice3A_288 : vector<1x512xf32> to vector<64x512xf32>
    %gt3A_290 = arith.cmpf ogt, %gt3A_289, %add3A_13 : vector<64x512xf32>
    %convert_element_type3A_291 = arith.extui %gt3A_290 : vector<64x512xi1> to vector<64x512xi32>
    %convert_element_type3A_292 = arith.sitofp %convert_element_type3A_291 : vector<64x512xi32> to vector<64x512xf32>
    %add3A_293 = arith.addf %add3A_287, %convert_element_type3A_292 : vector<64x512xf32>
    %slice3A_294 = vector.extract_strided_slice %add3A_13 {offsets = [47, 0], sizes = [1, 512], strides = [1, 1]} : vector<64x512xf32> to vector<1x512xf32>
    %gt3A_295 = vector.broadcast %slice3A_294 : vector<1x512xf32> to vector<64x512xf32>
    %gt3A_296 = arith.cmpf ogt, %gt3A_295, %add3A_13 : vector<64x512xf32>
    %convert_element_type3A_297 = arith.extui %gt3A_296 : vector<64x512xi1> to vector<64x512xi32>
    %convert_element_type3A_298 = arith.sitofp %convert_element_type3A_297 : vector<64x512xi32> to vector<64x512xf32>
    %add3A_299 = arith.addf %add3A_293, %convert_element_type3A_298 : vector<64x512xf32>
    %slice3A_300 = vector.extract_strided_slice %add3A_13 {offsets = [48, 0], sizes = [1, 512], strides = [1, 1]} : vector<64x512xf32> to vector<1x512xf32>
    %gt3A_301 = vector.broadcast %slice3A_300 : vector<1x512xf32> to vector<64x512xf32>
    %gt3A_302 = arith.cmpf ogt, %gt3A_301, %add3A_13 : vector<64x512xf32>
    %convert_element_type3A_303 = arith.extui %gt3A_302 : vector<64x512xi1> to vector<64x512xi32>
    %convert_element_type3A_304 = arith.sitofp %convert_element_type3A_303 : vector<64x512xi32> to vector<64x512xf32>
    %add3A_305 = arith.addf %add3A_299, %convert_element_type3A_304 : vector<64x512xf32>
    %slice3A_306 = vector.extract_strided_slice %add3A_13 {offsets = [49, 0], sizes = [1, 512], strides = [1, 1]} : vector<64x512xf32> to vector<1x512xf32>
    %gt3A_307 = vector.broadcast %slice3A_306 : vector<1x512xf32> to vector<64x512xf32>
    %gt3A_308 = arith.cmpf ogt, %gt3A_307, %add3A_13 : vector<64x512xf32>
    %convert_element_type3A_309 = arith.extui %gt3A_308 : vector<64x512xi1> to vector<64x512xi32>
    %convert_element_type3A_310 = arith.sitofp %convert_element_type3A_309 : vector<64x512xi32> to vector<64x512xf32>
    %add3A_311 = arith.addf %add3A_305, %convert_element_type3A_310 : vector<64x512xf32>
    %slice3A_312 = vector.extract_strided_slice %add3A_13 {offsets = [50, 0], sizes = [1, 512], strides = [1, 1]} : vector<64x512xf32> to vector<1x512xf32>
    %gt3A_313 = vector.broadcast %slice3A_312 : vector<1x512xf32> to vector<64x512xf32>
    %gt3A_314 = arith.cmpf ogt, %gt3A_313, %add3A_13 : vector<64x512xf32>
    %convert_element_type3A_315 = arith.extui %gt3A_314 : vector<64x512xi1> to vector<64x512xi32>
    %convert_element_type3A_316 = arith.sitofp %convert_element_type3A_315 : vector<64x512xi32> to vector<64x512xf32>
    %add3A_317 = arith.addf %add3A_311, %convert_element_type3A_316 : vector<64x512xf32>
    %slice3A_318 = vector.extract_strided_slice %add3A_13 {offsets = [51, 0], sizes = [1, 512], strides = [1, 1]} : vector<64x512xf32> to vector<1x512xf32>
    %gt3A_319 = vector.broadcast %slice3A_318 : vector<1x512xf32> to vector<64x512xf32>
    %gt3A_320 = arith.cmpf ogt, %gt3A_319, %add3A_13 : vector<64x512xf32>
    %convert_element_type3A_321 = arith.extui %gt3A_320 : vector<64x512xi1> to vector<64x512xi32>
    %convert_element_type3A_322 = arith.sitofp %convert_element_type3A_321 : vector<64x512xi32> to vector<64x512xf32>
    %add3A_323 = arith.addf %add3A_317, %convert_element_type3A_322 : vector<64x512xf32>
    %slice3A_324 = vector.extract_strided_slice %add3A_13 {offsets = [52, 0], sizes = [1, 512], strides = [1, 1]} : vector<64x512xf32> to vector<1x512xf32>
    %gt3A_325 = vector.broadcast %slice3A_324 : vector<1x512xf32> to vector<64x512xf32>
    %gt3A_326 = arith.cmpf ogt, %gt3A_325, %add3A_13 : vector<64x512xf32>
    %convert_element_type3A_327 = arith.extui %gt3A_326 : vector<64x512xi1> to vector<64x512xi32>
    %convert_element_type3A_328 = arith.sitofp %convert_element_type3A_327 : vector<64x512xi32> to vector<64x512xf32>
    %add3A_329 = arith.addf %add3A_323, %convert_element_type3A_328 : vector<64x512xf32>
    %slice3A_330 = vector.extract_strided_slice %add3A_13 {offsets = [53, 0], sizes = [1, 512], strides = [1, 1]} : vector<64x512xf32> to vector<1x512xf32>
    %gt3A_331 = vector.broadcast %slice3A_330 : vector<1x512xf32> to vector<64x512xf32>
    %gt3A_332 = arith.cmpf ogt, %gt3A_331, %add3A_13 : vector<64x512xf32>
    %convert_element_type3A_333 = arith.extui %gt3A_332 : vector<64x512xi1> to vector<64x512xi32>
    %convert_element_type3A_334 = arith.sitofp %convert_element_type3A_333 : vector<64x512xi32> to vector<64x512xf32>
    %add3A_335 = arith.addf %add3A_329, %convert_element_type3A_334 : vector<64x512xf32>
    %slice3A_336 = vector.extract_strided_slice %add3A_13 {offsets = [54, 0], sizes = [1, 512], strides = [1, 1]} : vector<64x512xf32> to vector<1x512xf32>
    %gt3A_337 = vector.broadcast %slice3A_336 : vector<1x512xf32> to vector<64x512xf32>
    %gt3A_338 = arith.cmpf ogt, %gt3A_337, %add3A_13 : vector<64x512xf32>
    %convert_element_type3A_339 = arith.extui %gt3A_338 : vector<64x512xi1> to vector<64x512xi32>
    %convert_element_type3A_340 = arith.sitofp %convert_element_type3A_339 : vector<64x512xi32> to vector<64x512xf32>
    %add3A_341 = arith.addf %add3A_335, %convert_element_type3A_340 : vector<64x512xf32>
    %slice3A_342 = vector.extract_strided_slice %add3A_13 {offsets = [55, 0], sizes = [1, 512], strides = [1, 1]} : vector<64x512xf32> to vector<1x512xf32>
    %gt3A_343 = vector.broadcast %slice3A_342 : vector<1x512xf32> to vector<64x512xf32>
    %gt3A_344 = arith.cmpf ogt, %gt3A_343, %add3A_13 : vector<64x512xf32>
    %convert_element_type3A_345 = arith.extui %gt3A_344 : vector<64x512xi1> to vector<64x512xi32>
    %convert_element_type3A_346 = arith.sitofp %convert_element_type3A_345 : vector<64x512xi32> to vector<64x512xf32>
    %add3A_347 = arith.addf %add3A_341, %convert_element_type3A_346 : vector<64x512xf32>
    %slice3A_348 = vector.extract_strided_slice %add3A_13 {offsets = [56, 0], sizes = [1, 512], strides = [1, 1]} : vector<64x512xf32> to vector<1x512xf32>
    %gt3A_349 = vector.broadcast %slice3A_348 : vector<1x512xf32> to vector<64x512xf32>
    %gt3A_350 = arith.cmpf ogt, %gt3A_349, %add3A_13 : vector<64x512xf32>
    %convert_element_type3A_351 = arith.extui %gt3A_350 : vector<64x512xi1> to vector<64x512xi32>
    %convert_element_type3A_352 = arith.sitofp %convert_element_type3A_351 : vector<64x512xi32> to vector<64x512xf32>
    %add3A_353 = arith.addf %add3A_347, %convert_element_type3A_352 : vector<64x512xf32>
    %slice3A_354 = vector.extract_strided_slice %add3A_13 {offsets = [57, 0], sizes = [1, 512], strides = [1, 1]} : vector<64x512xf32> to vector<1x512xf32>
    %gt3A_355 = vector.broadcast %slice3A_354 : vector<1x512xf32> to vector<64x512xf32>
    %gt3A_356 = arith.cmpf ogt, %gt3A_355, %add3A_13 : vector<64x512xf32>
    %convert_element_type3A_357 = arith.extui %gt3A_356 : vector<64x512xi1> to vector<64x512xi32>
    %convert_element_type3A_358 = arith.sitofp %convert_element_type3A_357 : vector<64x512xi32> to vector<64x512xf32>
    %add3A_359 = arith.addf %add3A_353, %convert_element_type3A_358 : vector<64x512xf32>
    %slice3A_360 = vector.extract_strided_slice %add3A_13 {offsets = [58, 0], sizes = [1, 512], strides = [1, 1]} : vector<64x512xf32> to vector<1x512xf32>
    %gt3A_361 = vector.broadcast %slice3A_360 : vector<1x512xf32> to vector<64x512xf32>
    %gt3A_362 = arith.cmpf ogt, %gt3A_361, %add3A_13 : vector<64x512xf32>
    %convert_element_type3A_363 = arith.extui %gt3A_362 : vector<64x512xi1> to vector<64x512xi32>
    %convert_element_type3A_364 = arith.sitofp %convert_element_type3A_363 : vector<64x512xi32> to vector<64x512xf32>
    %add3A_365 = arith.addf %add3A_359, %convert_element_type3A_364 : vector<64x512xf32>
    %slice3A_366 = vector.extract_strided_slice %add3A_13 {offsets = [59, 0], sizes = [1, 512], strides = [1, 1]} : vector<64x512xf32> to vector<1x512xf32>
    %gt3A_367 = vector.broadcast %slice3A_366 : vector<1x512xf32> to vector<64x512xf32>
    %gt3A_368 = arith.cmpf ogt, %gt3A_367, %add3A_13 : vector<64x512xf32>
    %convert_element_type3A_369 = arith.extui %gt3A_368 : vector<64x512xi1> to vector<64x512xi32>
    %convert_element_type3A_370 = arith.sitofp %convert_element_type3A_369 : vector<64x512xi32> to vector<64x512xf32>
    %add3A_371 = arith.addf %add3A_365, %convert_element_type3A_370 : vector<64x512xf32>
    %slice3A_372 = vector.extract_strided_slice %add3A_13 {offsets = [60, 0], sizes = [1, 512], strides = [1, 1]} : vector<64x512xf32> to vector<1x512xf32>
    %gt3A_373 = vector.broadcast %slice3A_372 : vector<1x512xf32> to vector<64x512xf32>
    %gt3A_374 = arith.cmpf ogt, %gt3A_373, %add3A_13 : vector<64x512xf32>
    %convert_element_type3A_375 = arith.extui %gt3A_374 : vector<64x512xi1> to vector<64x512xi32>
    %convert_element_type3A_376 = arith.sitofp %convert_element_type3A_375 : vector<64x512xi32> to vector<64x512xf32>
    %add3A_377 = arith.addf %add3A_371, %convert_element_type3A_376 : vector<64x512xf32>
    %slice3A_378 = vector.extract_strided_slice %add3A_13 {offsets = [61, 0], sizes = [1, 512], strides = [1, 1]} : vector<64x512xf32> to vector<1x512xf32>
    %gt3A_379 = vector.broadcast %slice3A_378 : vector<1x512xf32> to vector<64x512xf32>
    %gt3A_380 = arith.cmpf ogt, %gt3A_379, %add3A_13 : vector<64x512xf32>
    %convert_element_type3A_381 = arith.extui %gt3A_380 : vector<64x512xi1> to vector<64x512xi32>
    %convert_element_type3A_382 = arith.sitofp %convert_element_type3A_381 : vector<64x512xi32> to vector<64x512xf32>
    %add3A_383 = arith.addf %add3A_377, %convert_element_type3A_382 : vector<64x512xf32>
    %slice3A_384 = vector.extract_strided_slice %add3A_13 {offsets = [62, 0], sizes = [1, 512], strides = [1, 1]} : vector<64x512xf32> to vector<1x512xf32>
    %gt3A_385 = vector.broadcast %slice3A_384 : vector<1x512xf32> to vector<64x512xf32>
    %gt3A_386 = arith.cmpf ogt, %gt3A_385, %add3A_13 : vector<64x512xf32>
    %convert_element_type3A_387 = arith.extui %gt3A_386 : vector<64x512xi1> to vector<64x512xi32>
    %convert_element_type3A_388 = arith.sitofp %convert_element_type3A_387 : vector<64x512xi32> to vector<64x512xf32>
    %add3A_389 = arith.addf %add3A_383, %convert_element_type3A_388 : vector<64x512xf32>
    %slice3A_390 = vector.extract_strided_slice %add3A_13 {offsets = [63, 0], sizes = [1, 512], strides = [1, 1]} : vector<64x512xf32> to vector<1x512xf32>
    %gt3A_391 = vector.broadcast %slice3A_390 : vector<1x512xf32> to vector<64x512xf32>
    %gt3A_392 = arith.cmpf ogt, %gt3A_391, %add3A_13 : vector<64x512xf32>
    %convert_element_type3A_393 = arith.extui %gt3A_392 : vector<64x512xi1> to vector<64x512xi32>
    %convert_element_type3A_394 = arith.sitofp %convert_element_type3A_393 : vector<64x512xi32> to vector<64x512xf32>
    %add3A_395 = arith.addf %add3A_389, %convert_element_type3A_394 : vector<64x512xf32>
    %convert_element_type3A_396 = arith.truncf %add3A_395 : vector<64x512xf32> to vector<64x512xbf16>
    %swap3A = arith.constant 0 : index
    %swap3A_397 = arith.constant 0 : index
    %swap3A_398 = vector.load %arg5[%swap3A, %swap3A_397] : memref<64x512xbf16, #tpu.memory_space<vmem>>, vector<64x512xbf16>
    tpu.vector_store %arg5[%swap3A, %swap3A_397], %convert_element_type3A_396 {strides = array<i32>} : memref<64x512xbf16, #tpu.memory_space<vmem>>, vector<64x512xbf16>,
    return
  }
  func.func @transform_0(%arg0: i32) -> (i32, i32) {
    %min3A = arith.constant 1 : i32
    %min3A_0 = arith.minsi %arg0, %min3A : i32
    %c0_i32 = arith.constant 0 : i32
    %c0_i32_1 = arith.constant 0 : i32
    return %min3A_0, %c0_i32 : i32, i32
  }
  func.func @transform_1(%arg0: i32) -> (i32, i32) {
    %sub3A = arith.constant 2 : i32
    %sub3A_0 = arith.subi %arg0, %sub3A : i32
    %add3A = arith.constant 1 : i32
    %add3A_1 = arith.addi %sub3A_0, %add3A : i32
    %jit3A = arith.constant 1 : i32
    %jit3A_2 = arith.constant 7 : i32
    %max3A = arith.maxsi %jit3A, %add3A_1 : i32
    %min3A = arith.minsi %jit3A_2, %max3A : i32
    %c0_i32 = arith.constant 0 : i32
    %c0_i32_3 = arith.constant 0 : i32
    return %min3A, %c0_i32 : i32, i32
  }
  func.func @transform_2(%arg0: i32) -> (i32, i32) {
    %c0_i32 = arith.constant 0 : i32
    %c0_i32_0 = arith.constant 0 : i32
    %c0_i32_1 = arith.constant 0 : i32
    return %c0_i32, %c0_i32_0 : i32, i32
  }
  func.func @transform_3(%arg0: i32) -> (i32, i32) {
    %c0_i32 = arith.constant 0 : i32
    %c0_i32_0 = arith.constant 0 : i32
    %c0_i32_1 = arith.constant 0 : i32
    return %c0_i32, %c0_i32_0 : i32, i32
  }
  func.func @transform_4(%arg0: i32) -> (i32, i32) {
    %c0_i32 = arith.constant 0 : i32
    %c0_i32_0 = arith.constant 0 : i32
    return %c0_i32, %arg0 : i32, i32
  }
}

</mosaic_0001>

<sc_bundles>
// kernel: kernel.6.cloned.1.call-start
scs
__scs_entry_jumppad:
0x0: {  	(pc) =	sbr.rel $0x88, $3  }
0x1: {  	(tag) =	ssettag $0x0;
	lr =	simm.s32 $0x1  }
0x2: {  	[smem:$0x3F9D] =	sst lr;
	_ =	strace $0xD0000000  }
0x3: {  	_ = 	snop  }
0x4: {  	_ = 	snop  }
0x5: {  	_ = 	snop  }
0x6: {  	_ = 	snop  }
0x7: {  	_ = 	snop  }
__scs_overlays_trampoline_lowered:
0x8: {  	[smem:$0x3FAC] =	sst s0  }
0x9: {  	[smem:$0x3FAD] =	sst s1  }
0xa: {  	[smem:$0x3FAE] =	sst s2  }
0xb: {  	[smem:$0x3FAF] =	sst s3  }
0xc: {  	[smem:$0x3FB0] =	sst s4  }
0xd: {  	[smem:$0x3FB1] =	sst s5  }
0xe: {  	[smem:$0x3FB2] =	sst s6  }
0xf: {  	[smem:$0x3FB3] =	sst s7  }
0x10: {  	[smem:$0x3FB4] =	sst s8  }
0x11: {  	[smem:$0x3FB5] =	sst s9;
	s0 =	simm.s32 @!p0 $0x0  }
0x12: {  	s1 =	sld [smem:$0x3F9B];
	s0 =	simm.s32 @p0 $0x1  }
0x13: {  	[smem:$0x3FB6] =	sst s0;
	s0 =	simm.s32 @!p1 $0x0  }
0x14: {  	s2 =	sld [smem:$0x3F9A];
	s0 =	simm.s32 @p1 $0x1  }
0x15: {  	[smem:$0x3FB7] =	sst s0;
	s0 =	simm.s32 @!p2 $0x0  }
0x16: {  	s3 =	sld [smem:$0x3FDB];
	s0 =	simm.s32 @p2 $0x1  }
0x17: {  	s4 =	simm.s32 $0x1BF5;
	[smem:$0x3FB9] =	sst s0  }
0x18: {  	s0 =	sld [smem:$0x3F9C];
	_ =	swait.ge [sflag:s4], $0x0  }
0x19: {  	s7 =	sld [smem:$0x3F9D]  }
0x1a: {  	s8 =	sadd.s32 $0xFFFFE003, lr  }
0x1b: {  	s9 =	sadd.s32 $0xFFFFFEF7, lr;
	s5 =	simm.s32 $0xFFFFFFFF;
	p2 =	slt.u32 s8, $0xFFFFF086  }
0x1c: {  	p1 =	slt.u32 s9, $0xF7A;
	s5 =	simm.s32 @!p2 $0x0  }
0x1d: {  	s5 =	simm.s32 @p1 $0x1;
	p0 =	seq.s32 s7, s2  }
0x1e: {  	s7 =	smul.u32 @!p0 $0xF7A, s2;
	p2 =	seq.s32 @!p0 s5, $0x0  }
0x1f: {  	s9 =	smul.u32 $0xF7A, s1;
	s8 =	simm.s32 @!p0 $0x1BF5;
	p2 =	por !p2, p0  }
0x20: {  	[sflag:s8] =	ssyncset.s32 @!p0 $0xFFFFF086;
	s6 =	sadd.s32 @!p0 s3, s7;
	s7 =	simm.s32 @!p0 $0x108  }
0x21: {  	s3 =	sadd.s32 s3, s9;
	s6 =	sadd.s32 @!p0 $0x88, s6;
	s7 =	simm.s32 @p2 $0x1082  }
0x22: {  	[simem:s7], [sflag:s8] =	dma.local @!p0 [hbm:s6], $0xF7A  }
0x23: {  	s9 =	sor.u32 $0xD0000000, s2;
	s6 =	simm.s32 $0x108;
	_ =	swait.ge @!p0 [sflag:s8], $0x0  }
0x24: {  	s3 =	sadd.s32 $0x88, s3;
	s6 =	simm.s32 @!p1 $0x1082;
	[sflag:s4] =	ssyncset.s32 $0xFFFFF086  }
0x25: {  	[simem:s6], [sflag:s4] =	dma.local [hbm:s3], $0xF7A  }
0x26: {  	[smem:$0x3F9D] =	sst s1;
	(tag) =	ssettag s2;
	_ =	strace s9  }
0x27: {  	s1 =	sld [smem:$0x3FAD]  }
0x28: {  	s2 =	sld [smem:$0x3FAE]  }
0x29: {  	s4 =	sld [smem:$0x3FB0]  }
0x2a: {  	p0 =	seq.s32 s5, $0x0;
	s5 =	sld [smem:$0x3FB1]  }
0x2b: {  	s6 =	sld [smem:$0x3FB2]  }
0x2c: {  	s7 =	sld [smem:$0x3FB3]  }
0x2d: {  	s3 =	simm.s32 $0x108;
	s8 =	sld [smem:$0x3FB4]  }
0x2e: {  	s3 =	simm.s32 @!p0 $0x1082;
	s9 =	sld [smem:$0x3FB5]  }
0x2f: {  	lr =	sadd.s32 s0, s3;
	s0 =	sld [smem:$0x3FAC]  }
0x30: {  	s3 =	sld [smem:$0x3FAF]  }
0x31: {  	[smem:$0x3FB8] =	sst s10  }
0x32: {  	s10 =	sld [smem:$0x3FB6];
	_ =	sdelay $0x3  }
0x33: {  	p0 =	seq.s32 s10, $0x1;
	s10 =	sld [smem:$0x3FB8];
	_ =	sdelay $0x3  }
0x34: {  	[smem:$0x3FB8] =	sst s10  }
0x35: {  	s10 =	sld [smem:$0x3FB7];
	_ =	sdelay $0x3  }
0x36: {  	p1 =	seq.s32 s10, $0x1;
	s10 =	sld [smem:$0x3FB8];
	_ =	sdelay $0x3  }
0x37: {  	[smem:$0x3FB8] =	sst s10  }
0x38: {  	s10 =	sld [smem:$0x3FB9]  }
0x39: {  	_ = 	snop;
	(pc) =	sbr.ind lr, $3  }
0x3a: {  	_ = 	snop  }
0x3b: {  	_ = 	snop  }
0x3c: {  	p2 =	seq.s32 s10, $0x1;
	s10 =	sld [smem:$0x3FB8]  }
0x3d: {  	_ =	shalt  }
0x3e: {  	_ =	shalt  }
0x3f: {  	_ =	shalt  }
0x40: {  	_ =	shalt  }
0x41: {  	_ =	shalt  }
0x42: {  	_ =	shalt  }
0x43: {  	_ =	shalt  }
0x44: {  	_ =	shalt  }
0x45: {  	_ =	shalt  }
0x46: {  	_ =	shalt  }
0x47: {  	_ =	shalt  }
0x48: {  	_ =	shalt  }
0x49: {  	_ =	shalt  }
0x4a: {  	_ =	shalt  }
0x4b: {  	_ =	shalt  }
0x4c: {  	_ =	shalt  }
0x4d: {  	_ =	shalt  }
0x4e: {  	_ =	shalt  }
0x4f: {  	_ =	shalt  }
0x50: {  	_ =	shalt  }
0x51: {  	_ =	shalt  }
0x52: {  	_ =	shalt  }
0x53: {  	_ =	shalt  }
0x54: {  	_ =	shalt  }
0x55: {  	_ =	shalt  }
0x56: {  	_ =	shalt  }
0x57: {  	_ =	shalt  }
0x58: {  	_ =	shalt  }
0x59: {  	_ =	shalt  }
0x5a: {  	_ =	shalt  }
0x5b: {  	_ =	shalt  }
0x5c: {  	_ =	shalt  }
0x5d: {  	_ =	shalt  }
0x5e: {  	_ =	shalt  }
0x5f: {  	_ =	shalt  }
0x60: {  	_ =	shalt  }
0x61: {  	_ =	shalt  }
0x62: {  	_ =	shalt  }
0x63: {  	_ =	shalt  }
0x64: {  	_ =	shalt  }
0x65: {  	_ =	shalt  }
0x66: {  	_ =	shalt  }
0x67: {  	_ =	shalt  }
0x68: {  	_ =	shalt  }
0x69: {  	_ =	shalt  }
0x6a: {  	_ =	shalt  }
0x6b: {  	_ =	shalt  }
0x6c: {  	_ =	shalt  }
0x6d: {  	_ =	shalt  }
0x6e: {  	_ =	shalt  }
0x6f: {  	_ =	shalt  }
0x70: {  	_ =	shalt  }
0x71: {  	_ =	shalt  }
0x72: {  	_ =	shalt  }
0x73: {  	_ =	shalt  }
0x74: {  	_ =	shalt  }
0x75: {  	_ =	shalt  }
0x76: {  	_ =	shalt  }
0x77: {  	_ =	shalt  }
0x78: {  	_ =	shalt  }
0x79: {  	_ =	shalt  }
0x7a: {  	_ =	shalt  }
0x7b: {  	_ =	shalt  }
0x7c: {  	_ =	shalt  }
0x7d: {  	_ =	shalt  }
0x7e: {  	_ =	shalt  }
0x7f: {  	_ =	shalt  }
0x80: {  	_ =	shalt  }
0x81: {  	_ =	shalt  }
0x82: {  	_ =	shalt  }
0x83: {  	_ =	shalt  }
0x84: {  	_ =	shalt  }
0x85: {  	_ =	shalt  }
0x86: {  	_ =	shalt  }
0x87: {  	_ =	shalt  }
.Lfunc_end0:
.L_simem_size_0:
called_computation_lowered:
.L_overlay_start_0:
0x88: {  	s2 =	sld [smem:$0x3FD9]  }
0x89: {  	s3 =	sld [smem:$0x3FFE];
	_ =	sdelay $0x1  }
0x8a: {  	s1 =	srdreg.scid  }
0x8b: {  	s0 =	sand.u32 $0x1, s1  }
0x8c: {  	s17 =	sshll.u32 s0, $0xA;
	s2 =	sadd.s32 s3, s2  }
0x8d: {  	s2 =	sadd.s32 s2, s17  }
0x8e: {  	[smem:$0x3FC4] =	sst s2  }
0x8f: {  	_ = 	snop  }
0x90: {  	s2 =	sld [smem:$0x3FD0];
	(tm) =	ssettm $0x1  }
0x91: {  	s18 =	sld [smem:$0x3FFB];
	_ =	sdelay $0x3  }
0x92: {  	_ =	strace s18  }
0x93: {  	s3 =	sld [smem:$0x3FFC];
	_ =	sdelay $0x3  }
0x94: {  	_ =	strace s3  }
0x95: {  	s3 =	sld [smem:$0x3FFD];
	_ =	sdelay $0x3  }
0x96: {  	_ =	strace s3  }
0x97: {  	_ =	strace $0x8FFFFFFF  }
0x98: {  	s19 =	sld [smem:$0x3FDB];
	_ =	sdelay $0x1  }
0x99: {  	s4 =	simm.s32 $_scs_section_size  }
0x9a: {  	s5 =	simm.s32 $_size__tile_overlayer_lowered;
	s6 =	simm.s32 $_tile_overlayer_lowered  }
0x9b: {  	s22 =	simm.s32 $0x1BFF;
	s21 =	sshll.u32 s6, $0x1;
	s3 =	sadd.s32 s4, s19  }
0x9c: {  	s7 =	simm.s32 $0x0;
	s20 =	sshll.u32 s5, $0x1;
	s5 =	sadd.s32 s21, s3  }
0x9d: {  	[timem:s7], [sflag:s22] =	dma.local [hbm:s5], s20  }
0x9e: {  	_ =	swait.ge [sflag:s22], s20  }
0x9f: {  	s4 =	ssub.s32 $0x0, s20;
	[sflag:s22] =	ssyncset.done $0x0  }
0xa0: {  	[sflag:s22] =	ssyncadd.s32 s4;
	_ =	sdelay $0x1  }
0xa1: {  	s23 =	simm.s32 $0x1B8B  }
0xa2: {  	_ =	swait.ge [sflag:s23], $0x1  }
0xa3: {  	[sflag:s23] =	ssyncset.done $0x0  }
0xa4: {  	s25 =	simm.s32 $0x1B8E;
	s24 =	sld [smem:$0x3FFE];
	[sflag:s23] =	ssyncadd.s32 $0xFFFFFFFF  }
0xa5: {  	s26 =	simm.s32 $execute0_lowered;
	[smem:$0x3FD2] =	sst s25  }
0xa6: {  	s5 =	sshll.u32 s26, $0x1;
	_ =	strace $0x80000046;
	[dreg:$0x1] =	wrdreg $0xFFFFFFFF  }
0xa7: {  	s28 =	simm.s32 $_size_execute0_lowered;
	s3 =	sadd.s32 s3, s5;
	[dreg:$0x0] =	wrdreg $0x0  }
0xa8: {  	s5 =	sshll.u32 s28, $0x1;
	[dreg:$0x2] =	wrdreg s3  }
0xa9: {  	[dreg:$0x3] =	wrdreg s5  }
0xaa: {  	[dreg:$0x4] =	wrdreg $0xC0  }
0xab: {  	_ =	task [dreg:s7], $0x5FFFF  }
0xac: {  	[dreg:$0x1] =	wrdreg $0xFFFFFFFF  }
0xad: {  	[dreg:$0x0] =	wrdreg $0x60  }
0xae: {  	[dreg:$0x2] =	wrdreg s2  }
0xaf: {  	[dreg:$0x3] =	wrdreg s24  }
0xb0: {  	[dreg:$0x4] =	wrdreg $0x9  }
0xb1: {  	_ =	task.clear_ibuf [dreg:s7], $0x5FFFF;
	_ =	strace $0x90000046  }
0xb2: {  	s29 =	simm.s32 $0x9;
	_ =	strace $0x80000048  }
0xb3: {  	_ =	swait.ge [sflag:s29], $0x1  }
0xb4: {  	[sflag:s29] =	ssyncadd.s32 $0xFFFFFFFF  }
0xb5: {  	_ =	strace $0x90000048  }
0xb6: {  	_ =	sfence  }
0xb7: {  	s30 =	sld [smem:$0x0];
	_ =	sdelay $0x2  }
0xb8: {  	s31 =	sshll.u32 s1, $0xD;
	s1 =	sshrl.u32 s1, $0x2  }
0xb9: {  	s3 =	sand.u32 $0x4000, s31;
	s1 =	sadd.s32 s1, s30  }
0xba: {  	s0 =	sor.u32 s3, s0;
	s1 =	sshll.u32 s1, $0x11  }
0xbb: {  	s0 =	sor.u32 s1, s0  }
0xbc: {  	s0 =	sadd.s32 $0x8F2B, s0  }
0xbd: {  	[sflag:s0] =	ssyncadd.remote.s32 $0x1  }
0xbe: {  	_ =	sfence.sel $0xFFFF  }
0xbf: {  	[dreg:$0x0] =	wrdreg $0xFFFFFFFF;
	(pc) =	sbr.abs _section_cstart, $3  }
0xc0: {  	[dreg:$0x1] =	wrdreg $0xFFFFFFFF  }
0xc1: {  	_ =	task.clear_ibuf [dreg:s7], $0x2FFFF;
	_ =	strace $0x9FFFFFFF  }
0xc2: {  	(tm) =	ssettm $0x7FFFFFFF  }
0xc3: {  	_ =	shalt  }
tec
execute0_lowered:
.L_overlay_start_1:
0x0: {  	(tag) =	ssettag $0x1  }
0x1: {  	s0 =	stileid.u32;
	s3 =	rddreg [dreg:$0x0]  }
0x2: {  	s1 =	srdreg.scid;
	s5 =	rddreg [dreg:$0x1];
	s9 =	simm.s32 $0x1  }
0x3: {  	s10 =	simm.s32 $0x2000;
	s11 =	simm.s32 $0x0;
	s2 =	sshll.u32 s0, $0x1  }
0x4: {  	s4 =	sand.u32 $0x1, s1;
	s26 =	sshll.u32 s0, $0x8;
	s29 =	sand.u32 $0x3, s0  }
0x5: {  	s25 =	sand.u32 $0x6, s2;
	s6 =	sand.u32 $0xC00, s26;
	s2 =	simm.s32 $0x0  }
0x6: {  	s8 =	ssub.s32 $0x2, s4;
	s30 =	sshll.u32 s29, $0xD;
	s1 =	sor.u32 s4, s25  }
0x7: {  	s31 =	sshll.u32 s4, $0xC;
	[smem:$0x7FF] =	sst s2;
	s7 =	sshll.u32 s1, $0xC  }
0x8: {  	s28 =	sshrl.u32 s8, $0x1;
	s1 =	rddreg [dreg:$0x2];
	s7 =	sor.u32 s6, s7  }
0x9: {  	_ =	strace $0x80000047;
	s6 =	sshrl.u32 s6, $0x3;
	s7 =	sshrl.u32 s7, $0x3  }
0xa: {  	s3 =	sadd.s32 s3, s6;
	s6 =	sor.u32 s31, s30;
	s5 =	sadd.s32 s7, s5  }
0xb: {  	s7 =	ssub.s32 s8, s28;
	s6 =	sshrl.u32 s6, $0x2;
	s8 =	simm.s32 $0x1000  }
0xc: {  	v0 =	vimm.f32 $0.0e+00;
	s4 =	sadd.s32 $0x1200, s5;
	s5 =	smax.u32 s7, $0x1;
	s7 =	simm.s32 $0x400  }
.LBB2_1:
0xd: {  	[tilespmem:s2], [sflag:$0x1] =	stream.strided.gather [hbm4b:s3+s7], $0x2000, s8, s7, $0x38;
	[tilespmem:$0x2400] =	vst v63  }
0xe: {  	_ =	swait.ge [sflag:s9], $0x2000  }
0xf: {  	s12 =	smov.u32 s6;
	[sflag:s9] =	ssyncset.done $0x0  }
0x10: {  	s13 =	simm.s32 $0x2000;
	s14 =	simm.s32 $0x0;
	[sflag:s9] =	ssyncadd.s32 $0xFFFFE000  }
.LBB2_2:
0x11: {  	s15 =	sshll.u32 s14, $0x4  }
0x12: {  	v3 =	vld [tilespmem:s15+$0x0]  }
0x13: {  	v4 =	vld [tilespmem:s15+$0x80]  }
0x14: {  	v5 =	vld [tilespmem:s15+$0x100]  }
0x15: {  	v6 =	vld [tilespmem:s15+$0x180]  }
0x16: {  	v7 =	vld [tilespmem:s15+$0x200]  }
0x17: {  	v8 =	vld [tilespmem:s15+$0x280]  }
0x18: {  	v9 =	vld [tilespmem:s15+$0x300]  }
0x19: {  	v10 =	vld [tilespmem:s15+$0x380]  }
0x1a: {  	v11 =	vld [tilespmem:s15+$0x400]  }
0x1b: {  	v12 =	vld [tilespmem:s15+$0x480]  }
0x1c: {  	v13 =	vld [tilespmem:s15+$0x500]  }
0x1d: {  	v14 =	vld [tilespmem:s15+$0x580]  }
0x1e: {  	v1 =	vmov s12;
	v15 =	vld [tilespmem:s15+$0x600]  }
0x1f: {  	v16 =	vld [tilespmem:s15+$0x680]  }
0x20: {  	v17 =	vld [tilespmem:s15+$0x700]  }
0x21: {  	v18 =	vld [tilespmem:s15+$0x780]  }
0x22: {  	s16 =	simm.s32 $0x0;
	v19 =	vld [tilespmem:s15+$0x800]  }
0x23: {  	v2 =	vld.idx.msk [tilespmem:v1+s16+$0x0 ss:$0x1], $0xffff  }
0x24: {  	v20 =	vld [tilespmem:s15+$0x880]  }
0x25: {  	v21 =	vld [tilespmem:s15+$0x900]  }
0x26: {  	v22 =	vld [tilespmem:s15+$0x980]  }
0x27: {  	v23 =	vld [tilespmem:s15+$0xA00]  }
0x28: {  	v24 =	vld [tilespmem:s15+$0xA80];
	vm0 =	vgt.f32 v3, v2;
	vm1 =	vgt.f32 v4, v2;
	vm2 =	vgt.f32 v5, v2  }
0x29: {  	v25 =	vld [tilespmem:s15+$0xB00];
	vm15 =	vgt.f32 v6, v2;
	vm4 =	vgt.f32 v7, v2;
	vm5 =	vgt.f32 v8, v2  }
0x2a: {  	v26 =	vld [tilespmem:s15+$0xB80];
	vm6 =	vgt.f32 v9, v2;
	vm7 =	vgt.f32 v10, v2;
	vm8 =	vgt.f32 v11, v2  }
0x2b: {  	v27 =	vld [tilespmem:s15+$0xC00];
	vm9 =	vgt.f32 v12, v2;
	vm10 =	vgt.f32 v13, v2;
	vm11 =	vgt.f32 v14, v2  }
0x2c: {  	v28 =	vld [tilespmem:s15+$0xC80];
	vm12 =	vgt.f32 v15, v2;
	vm13 =	vgt.f32 v16, v2;
	vm14 =	vgt.f32 v17, v2  }
0x2d: {  	v29 =	vld [tilespmem:s15+$0xD00];
	v3 =	vsel vm0, $0x3F800000, v0;
	v4 =	vsel vm2, $0x3F800000, v0;
	v6 =	vsel vm15, $0x3F800000, v0  }
0x2e: {  	v30 =	vld [tilespmem:s15+$0xD80];
	v7 =	vsel vm4, $0x3F800000, v0;
	v5 =	vsel vm5, $0x3F800000, v0;
	v9 =	vsel vm6, $0x3F800000, v0  }
0x2f: {  	v31 =	vld [tilespmem:s15+$0xE00];
	v10 =	vsel vm7, $0x3F800000, v0;
	v11 =	vsel vm8, $0x3F800000, v0;
	v14 =	vsel vm9, $0x3F800000, v0  }
0x30: {  	v32 =	vld [tilespmem:s15+$0xE80];
	v15 =	vsel vm10, $0x3F800000, v0;
	v8 =	vsel vm11, $0x3F800000, v0;
	v35 =	vsel vm12, $0x3F800000, v0  }
0x31: {  	v33 =	vld [tilespmem:s15+$0xF00];
	vm15 =	vgt.f32 v18, v2;
	v18 =	vsel vm13, $0x3F800000, v0;
	vm4 =	vgt.f32 v19, v2  }
0x32: {  	v34 =	vld [tilespmem:s15+$0x1080];
	v19 =	vsel vm14, $0x3F800000, v0;
	vm5 =	vgt.f32 v20, v2;
	vm6 =	vgt.f32 v21, v2  }
0x33: {  	v36 =	vld [tilespmem:s15+$0x1180];
	vm7 =	vgt.f32 v22, v2;
	vm8 =	vgt.f32 v23, v2;
	vm9 =	vgt.f32 v24, v2  }
0x34: {  	v38 =	vld [tilespmem:s15+$0x1280];
	vm10 =	vgt.f32 v25, v2;
	vm11 =	vgt.f32 v26, v2;
	vm12 =	vgt.f32 v27, v2  }
0x35: {  	v40 =	vld [tilespmem:s15+$0x1380];
	vm13 =	vgt.f32 v28, v2;
	vm14 =	vgt.f32 v29, v2;
	[tilespmem:$0x1FFF0] =	vst v3;
	v3 =	vsel vm1, $0x3F800000, v0  }
0x36: {  	v42 =	vld [tilespmem:s15+$0x1480];
	v37 =	vsel vm15, $0x3F800000, v0;
	v21 =	vsel vm4, $0x3F800000, v0;
	v22 =	vsel vm5, $0x3F800000, v0  }
0x37: {  	v44 =	vld [tilespmem:s15+$0x1580];
	v39 =	vsel vm6, $0x3F800000, v0;
	v24 =	vsel vm7, $0x3F800000, v0;
	v25 =	vsel vm8, $0x3F800000, v0  }
0x38: {  	v63 =	vld [tilespmem:s15+$0x1600];
	v41 =	vsel vm9, $0x3F800000, v0;
	v27 =	vsel vm10, $0x3F800000, v0;
	v28 =	vsel vm11, $0x3F800000, v0  }
0x39: {  	v46 =	vld [tilespmem:s15+$0x1680];
	v43 =	vsel vm12, $0x3F800000, v0;
	vm15 =	vgt.f32 v30, v2;
	v30 =	vsel vm13, $0x3F800000, v0  }
0x3a: {  	v50 =	vld [tilespmem:s15+$0x1880];
	vm4 =	vgt.f32 v31, v2;
	v16 =	vsel vm14, $0x3F800000, v0;
	vm5 =	vgt.f32 v32, v2  }
0x3b: {  	v52 =	vld [tilespmem:s15+$0x1980];
	vm6 =	vgt.f32 v33, v2;
	vm9 =	vgt.f32 v34, v2;
	v4 =	vadd.f32 v6, v4  }
0x3c: {  	v54 =	vld [tilespmem:s15+$0x1A80];
	vm11 =	vgt.f32 v36, v2;
	v5 =	vadd.f32 v5, v7;
	v6 =	vadd.f32 v10, v9  }
0x3d: {  	v12 =	vld [tilespmem:s15+$0xF80];
	vm13 =	vgt.f32 v38, v2;
	v7 =	vadd.f32 v14, v11;
	v8 =	vadd.f32 v8, v15  }
0x3e: {  	v13 =	vld [tilespmem:s15+$0x1000];
	v9 =	vadd.f32 v18, v35;
	v45 =	vsel vm15, $0x3F800000, v0;
	v33 =	vsel vm4, $0x3F800000, v0  }
0x3f: {  	v17 =	vld [tilespmem:s15+$0x1100];
	v47 =	vsel vm5, $0x3F800000, v0;
	v48 =	vsel vm6, $0x3F800000, v0;
	v36 =	vsel vm9, $0x3F800000, v0  }
0x40: {  	v20 =	vld [tilespmem:s15+$0x1200];
	v38 =	vsel vm11, $0x3F800000, v0;
	vm15 =	vgt.f32 v40, v2;
	v40 =	vsel vm13, $0x3F800000, v0  }
0x41: {  	v23 =	vld [tilespmem:s15+$0x1300];
	vm5 =	vgt.f32 v42, v2;
	vm9 =	vgt.f32 v46, v2;
	v10 =	vadd.f32 v37, v19  }
0x42: {  	v26 =	vld [tilespmem:s15+$0x1400];
	vm13 =	vgt.f32 v50, v2;
	v11 =	vadd.f32 v22, v21;
	v14 =	vadd.f32 v28, v27  }
0x43: {  	v29 =	vld [tilespmem:s15+$0x1500];
	v15 =	vadd.f32 v30, v43;
	v53 =	vsel vm15, $0x3F800000, v0;
	v58 =	vsel vm9, $0x3F800000, v0  }
0x44: {  	v56 =	vld [tilespmem:s15+$0x1B80];
	vm15 =	vgt.f32 v52, v2;
	v52 =	vsel vm13, $0x3F800000, v0;
	v16 =	vadd.f32 v45, v16  }
0x45: {  	v32 =	vld [tilespmem:s15+$0x1B00];
	vm7 =	vgt.f32 v12, v2;
	vm8 =	vgt.f32 v13, v2;
	vm10 =	vgt.f32 v17, v2  }
0x46: {  	v35 =	vld [tilespmem:s15+$0x1E80];
	v34 =	vsel vm7, $0x3F800000, v0;
	v49 =	vsel vm8, $0x3F800000, v0;
	vm12 =	vgt.f32 v20, v2  }
0x47: {  	v12 =	vld [tilespmem:s15+$0x1700];
	v20 =	vsel vm10, $0x3F800000, v0;
	vm14 =	vgt.f32 v23, v2;
	vm4 =	vgt.f32 v26, v2  }
0x48: {  	v42 =	vld [tilespmem:s15+$0x1A00];
	vm6 =	vgt.f32 v29, v2;
	vm7 =	vgt.f32 v44, v2;
	v44 =	vsel vm5, $0x3F800000, v0  }
0x49: {  	v27 =	vld [tilespmem:s15+$0x1F80];
	vm8 =	vgt.f32 v63, v2;
	vm5 =	vgt.f32 v54, v2;
	v54 =	vsel vm15, $0x3F800000, v0  }
0x4a: {  	v13 =	vld [tilespmem:s15+$0x1780];
	v51 =	vsel vm12, $0x3F800000, v0;
	v26 =	vsel vm14, $0x3F800000, v0;
	v29 =	vsel vm4, $0x3F800000, v0  }
0x4b: {  	v17 =	vld [tilespmem:s15+$0x1800];
	v55 =	vsel vm6, $0x3F800000, v0;
	v46 =	vsel vm7, $0x3F800000, v0;
	v57 =	vsel vm8, $0x3F800000, v0  }
0x4c: {  	vm6 =	vgt.f32 v32, v2;
	vm7 =	vgt.f32 v56, v2;
	vm10 =	vgt.f32 v12, v2;
	v12 =	vld [tilespmem:s15+$0x1C00]  }
0x4d: {  	v56 =	vsel vm5, $0x3F800000, v0;
	v18 =	vadd.f32 v34, v48;
	vm13 =	vgt.f32 v35, v2  }
0x4e: {  	v23 =	vld [tilespmem:s15+$0x1900];
	v19 =	vadd.f32 v36, v49;
	v20 =	vadd.f32 v38, v20;
	vm4 =	vgt.f32 v42, v2  }
0x4f: {  	v61 =	vsel vm6, $0x3F800000, v0;
	v62 =	vsel vm7, $0x3F800000, v0;
	vm11 =	vgt.f32 v13, v2;
	v13 =	vld [tilespmem:s15+$0x1C80]  }
0x50: {  	v21 =	vadd.f32 v40, v51;
	v22 =	vadd.f32 v53, v26;
	vm12 =	vgt.f32 v17, v2;
	v17 =	vld [tilespmem:s15+$0x1D00]  }
0x51: {  	v34 =	vsel vm13, $0x3F800000, v0;
	vm15 =	vgt.f32 v27, v2;
	vm8 =	vgt.f32 v12, v2;
	v12 =	vld [tilespmem:s15+$0x1D80]  }
0x52: {  	v32 =	vsel vm4, $0x3F800000, v0;
	v36 =	vsel vm15, $0x3F800000, v0;
	v30 =	vadd.f32 v62, v61  }
0x53: {  	v59 =	vsel vm10, $0x3F800000, v0;
	v50 =	vsel vm11, $0x3F800000, v0;
	vm14 =	vgt.f32 v23, v2;
	v23 =	vld [tilespmem:s15+$0x1E00]  }
0x54: {  	v60 =	vsel vm12, $0x3F800000, v0;
	v42 =	vsel vm14, $0x3F800000, v0;
	v26 =	vadd.f32 v50, v59  }
0x55: {  	v27 =	vadd.f32 v52, v60;
	v28 =	vadd.f32 v54, v42;
	vm9 =	vgt.f32 v13, v2;
	v13 =	vld [tilespmem:$0x1FFF0]  }
0x56: {  	vm10 =	vgt.f32 v17, v2;
	vm11 =	vgt.f32 v12, v2;
	v12 =	vadd.f32 v24, v39;
	v24 =	vld [tilespmem:s15+$0x1F00]  }
0x57: {  	v17 =	vadd.f32 v47, v33;
	v63 =	vsel vm8, $0x3F800000, v0;
	v31 =	vsel vm9, $0x3F800000, v0  }
0x58: {  	v37 =	vsel vm10, $0x3F800000, v0;
	vm12 =	vgt.f32 v23, v2;
	v23 =	vadd.f32 v44, v29  }
0x59: {  	v29 =	vadd.f32 v56, v32;
	v33 =	vsel vm12, $0x3F800000, v0;
	v31 =	vadd.f32 v31, v63  }
0x5a: {  	v3 =	vadd.f32 v3, v13;
	v13 =	vadd.f32 v41, v25;
	v39 =	vsel vm11, $0x3F800000, v0  }
0x5b: {  	v25 =	vadd.f32 v58, v57;
	v32 =	vadd.f32 v39, v37;
	vm14 =	vgt.f32 v24, v2  }
0x5c: {  	s17 =	simm.s32 $0x200;
	v24 =	vadd.f32 v46, v55;
	v2 =	vmov s13;
	v35 =	vsel vm14, $0x3F800000, v0  }
.LBB2_3:
0x5d: {  	v33 =	vadd.f32 v34, v33;
	v60 =	vadd.f32 v36, v35  }
0x5e: {  	v3 =	vadd.f32 v4, v3;
	v4 =	vadd.f32 v6, v5  }
0x5f: {  	v5 =	vadd.f32 v8, v7;
	v6 =	vadd.f32 v10, v9  }
0x60: {  	v7 =	vadd.f32 v12, v11;
	v8 =	vadd.f32 v14, v13  }
0x61: {  	v9 =	vadd.f32 v16, v15;
	v10 =	vadd.f32 v18, v17  }
0x62: {  	v11 =	vadd.f32 v20, v19;
	v12 =	vadd.f32 v22, v21  }
0x63: {  	v13 =	vadd.f32 v24, v23;
	v14 =	vadd.f32 v26, v25  }
0x64: {  	v15 =	vadd.f32 v28, v27;
	v16 =	vadd.f32 v30, v29  }
0x65: {  	v17 =	vadd.f32 v32, v31;
	v18 =	vadd.f32 v60, v33  }
0x66: {  	v3 =	vadd.f32 v4, v3;
	v4 =	vadd.f32 v6, v5  }
0x67: {  	v5 =	vadd.f32 v8, v7;
	v6 =	vadd.f32 v10, v9  }
0x68: {  	v7 =	vadd.f32 v12, v11;
	v8 =	vadd.f32 v14, v13  }
0x69: {  	v9 =	vadd.f32 v16, v15;
	v10 =	vadd.f32 v18, v17  }
0x6a: {  	v3 =	vadd.f32 v4, v3;
	v4 =	vadd.f32 v6, v5  }
0x6b: {  	v5 =	vadd.f32 v8, v7;
	v6 =	vadd.f32 v10, v9;
	_ =	sdelay $0x1  }
0x6c: {  	v3 =	vadd.f32 v4, v3;
	v4 =	vadd.f32 v6, v5;
	_ =	sdelay $0x1  }
0x6d: {  	v3 =	vadd.f32 v4, v3;
	_ =	sdelay $0x1  }
0x6e: {  	v3 =	vadd.f32 $1.000000000e+00, v3;
	_ =	sdelay $0x1  }
0x6f: {  	[tilespmem:v2+s16+$0x0 ss:$0x1] =	vst.idx.msk $0xffff, v3  }
0x70: {  	v3 =	vld [tilespmem:s15+$0x0]  }
0x71: {  	v4 =	vld [tilespmem:s15+$0x80]  }
0x72: {  	v5 =	vld [tilespmem:s15+$0x100]  }
0x73: {  	v6 =	vld [tilespmem:s15+$0x180]  }
0x74: {  	v7 =	vld [tilespmem:s15+$0x200]  }
0x75: {  	s16 =	sshra.s32 s17, $0x2;
	v8 =	vld [tilespmem:s15+$0x280]  }
0x76: {  	v45 =	vld.idx.msk [tilespmem:v1+s16+$0x0 ss:$0x1], $0xffff  }
0x77: {  	v9 =	vld [tilespmem:s15+$0x300]  }
0x78: {  	v10 =	vld [tilespmem:s15+$0x380]  }
0x79: {  	v11 =	vld [tilespmem:s15+$0x400]  }
0x7a: {  	v12 =	vld [tilespmem:s15+$0x480]  }
0x7b: {  	v13 =	vld [tilespmem:s15+$0x500];
	vm0 =	vgt.f32 v3, v45  }
0x7c: {  	v14 =	vld [tilespmem:s15+$0x580];
	v3 =	vimm.s32 $0x0;
	vm4 =	vgt.f32 v4, v45;
	vm5 =	vgt.f32 v5, v45  }
0x7d: {  	v15 =	vld [tilespmem:s15+$0x600];
	v4 =	vimm.s32 $0x0;
	vm6 =	vgt.f32 v6, v45;
	vm7 =	vgt.f32 v7, v45  }
0x7e: {  	v17 =	vld [tilespmem:s15+$0x700];
	vm8 =	vgt.f32 v8, v45;
	v5 =	vimm.s32 $0x0;
	vm9 =	vgt.f32 v9, v45  }
0x7f: {  	v20 =	vld [tilespmem:s15+$0x880];
	vm10 =	vgt.f32 v10, v45;
	vm11 =	vgt.f32 v11, v45;
	v3 =	vsel vm0, $0xFFFFFFFF, v3  }
0x80: {  	v23 =	vld [tilespmem:s15+$0xA00];
	v6 =	vimm.s32 $0x0;
	vm12 =	vgt.f32 v12, v45;
	v4 =	vsel vm5, $0xFFFFFFFF, v4;
	[tilespmem:$0x1FCE0] =	vst v3  }
0x81: {  	v26 =	vld [tilespmem:s15+$0xB80];
	vm13 =	vgt.f32 v13, v45;
	vm14 =	vgt.f32 v14, v45;
	v5 =	vsel vm8, $0xFFFFFFFF, v5;
	[tilespmem:$0x1FD00] =	vst v4  }
0x82: {  	v7 =	vimm.s32 $0x0;
	vm15 =	vgt.f32 v15, v45;
	v6 =	vsel vm11, $0xFFFFFFFF, v6;
	[tilespmem:$0x1FD30] =	vst v5  }
0x83: {  	v8 =	vimm.s32 $0x0;
	v7 =	vsel vm14, $0xFFFFFFFF, v7;
	vm5 =	vgt.f32 v17, v45;
	[tilespmem:$0x1FD60] =	vst v6  }
0x84: {  	v16 =	vld [tilespmem:s15+$0x680];
	v9 =	vimm.s32 $0x0;
	vm8 =	vgt.f32 v20, v45;
	[tilespmem:$0x1FD90] =	vst v7;
	v8 =	vsel vm5, $0xFFFFFFFF, v8  }
0x85: {  	v29 =	vld [tilespmem:s15+$0xD00];
	v10 =	vimm.s32 $0x0;
	vm11 =	vgt.f32 v23, v45;
	v9 =	vsel vm8, $0xFFFFFFFF, v9;
	[tilespmem:$0x1FDC0] =	vst v8  }
0x86: {  	v61 =	vld [tilespmem:s15+$0xE80];
	v11 =	vimm.s32 $0x0;
	vm14 =	vgt.f32 v26, v45;
	v10 =	vsel vm11, $0xFFFFFFFF, v10;
	[tilespmem:$0x1FDF0] =	vst v9  }
0x87: {  	v54 =	vld [tilespmem:s15+$0x1000];
	v12 =	vimm.s32 $0x0;
	v3 =	vimm.s32 $0x0;
	v11 =	vsel vm14, $0xFFFFFFFF, v11;
	[tilespmem:$0x1FE20] =	vst v10  }
0x88: {  	v18 =	vld [tilespmem:s15+$0x780];
	v13 =	vimm.s32 $0x0;
	v4 =	vimm.s32 $0x0;
	v3 =	vsel vm4, $0xFFFFFFFF, v3;
	[tilespmem:$0x1FE50] =	vst v11  }
0x89: {  	v21 =	vld [tilespmem:s15+$0x900];
	v14 =	vimm.s32 $0x0;
	v5 =	vimm.s32 $0x0;
	v4 =	vsel vm6, $0xFFFFFFFF, v4;
	[tilespmem:$0x1FCF0] =	vst v3  }
0x8a: {  	v24 =	vld [tilespmem:s15+$0xA80];
	v6 =	vimm.s32 $0x0;
	v7 =	vimm.s32 $0x0;
	v5 =	vsel vm9, $0xFFFFFFFF, v5;
	[tilespmem:$0x1FD10] =	vst v4  }
0x8b: {  	v27 =	vld [tilespmem:s15+$0xC00];
	vm5 =	vgt.f32 v29, v45;
	vm8 =	vgt.f32 v61, v45;
	v6 =	vsel vm12, $0xFFFFFFFF, v6;
	[tilespmem:$0x1FD40] =	vst v5  }
0x8c: {  	v19 =	vld [tilespmem:s15+$0x800];
	vm11 =	vgt.f32 v54, v45;
	v7 =	vsel vm15, $0xFFFFFFFF, v7;
	vm4 =	vgt.f32 v16, v45;
	[tilespmem:$0x1FD70] =	vst v6  }
0x8d: {  	v22 =	vld [tilespmem:s15+$0x980];
	vm6 =	vgt.f32 v18, v45;
	v8 =	vimm.s32 $0x0;
	v12 =	vsel vm5, $0xFFFFFFFF, v12;
	[tilespmem:$0x1FDA0] =	vst v7  }
0x8e: {  	v30 =	vld [tilespmem:s15+$0xD80];
	vm9 =	vgt.f32 v21, v45;
	v9 =	vimm.s32 $0x0;
	v13 =	vsel vm8, $0xFFFFFFFF, v13;
	[tilespmem:$0x1FE80] =	vst v12  }
0x8f: {  	v62 =	vld [tilespmem:s15+$0xF00];
	vm12 =	vgt.f32 v24, v45;
	v10 =	vimm.s32 $0x0;
	v14 =	vsel vm11, $0xFFFFFFFF, v14;
	[tilespmem:$0x1FEB0] =	vst v13  }
0x90: {  	v55 =	vld [tilespmem:s15+$0x1080];
	vm15 =	vgt.f32 v27, v45;
	v11 =	vimm.s32 $0x0;
	v8 =	vsel vm6, $0xFFFFFFFF, v8;
	[tilespmem:$0x1FEE0] =	vst v14  }
0x91: {  	v25 =	vld [tilespmem:s15+$0xB00];
	v4 =	vimm.s32 $0x0;
	v5 =	vimm.s32 $0x0;
	v9 =	vsel vm9, $0xFFFFFFFF, v9;
	[tilespmem:$0x1FDD0] =	vst v8  }
0x92: {  	v28 =	vld [tilespmem:s15+$0xC80];
	v6 =	vimm.s32 $0x0;
	v7 =	vimm.s32 $0x0;
	v10 =	vsel vm12, $0xFFFFFFFF, v10;
	[tilespmem:$0x1FE00] =	vst v9  }
0x93: {  	v31 =	vld [tilespmem:s15+$0xE00];
	v11 =	vsel vm15, $0xFFFFFFFF, v11;
	vm6 =	vgt.f32 v30, v45;
	v12 =	vimm.s32 $0x0;
	[tilespmem:$0x1FE30] =	vst v10  }
0x94: {  	v3 =	vld [tilespmem:s15+$0x1800];
	vm9 =	vgt.f32 v62, v45;
	v13 =	vimm.s32 $0x0;
	v6 =	vsel vm13, $0xFFFFFFFF, v6;
	[tilespmem:$0x1FE60] =	vst v11  }
0x95: {  	vm12 =	vgt.f32 v55, v45;
	v14 =	vimm.s32 $0x0;
	v7 =	vsel vm4, $0xFFFFFFFF, v7;
	[tilespmem:$0x1FD80] =	vst v6;
	v6 =	vld [tilespmem:s15+$0x1980]  }
0x96: {  	v63 =	vld [tilespmem:s15+$0xF80];
	v4 =	vsel vm7, $0xFFFFFFFF, v4;
	v5 =	vsel vm10, $0xFFFFFFFF, v5;
	v12 =	vsel vm6, $0xFFFFFFFF, v12;
	[tilespmem:$0x1FDB0] =	vst v7  }
0x97: {  	vm7 =	vgt.f32 v19, v45;
	v8 =	vimm.s32 $0x0;
	v13 =	vsel vm9, $0xFFFFFFFF, v13;
	v7 =	vld [tilespmem:s15+$0x1A00];
	[tilespmem:$0x1FE90] =	vst v12  }
0x98: {  	v37 =	vld [tilespmem:s15+$0x1100];
	vm10 =	vgt.f32 v22, v45;
	v9 =	vimm.s32 $0x0;
	v8 =	vsel vm7, $0xFFFFFFFF, v8;
	[tilespmem:$0x1FEC0] =	vst v13  }
0x99: {  	v14 =	vsel vm12, $0xFFFFFFFF, v14;
	v9 =	vsel vm10, $0xFFFFFFFF, v9;
	[tilespmem:$0x1FDE0] =	vst v8;
	v8 =	vld [tilespmem:s15+$0x1A80]  }
0x9a: {  	v38 =	vld [tilespmem:s15+$0x1180];
	[tilespmem:$0x1FEF0] =	vst v14;
	vm1 =	vgt.f32 v3, v45;
	v3 =	vimm.s32 $0x0;
	vm15 =	vgt.f32 v6, v45  }
0x9b: {  	vm13 =	vgt.f32 v25, v45;
	v10 =	vimm.s32 $0x0;
	[tilespmem:$0x1FE10] =	vst v9;
	v9 =	vld [tilespmem:s15+$0x1B00];
	v3 =	vsel vm15, $0xFFFFFFFF, v3  }
0x9c: {  	v39 =	vld [tilespmem:s15+$0x1200];
	v10 =	vsel vm13, $0xFFFFFFFF, v10;
	vm15 =	vgt.f32 v7, v45;
	[tilespmem:$0x1FF20] =	vst v3;
	v3 =	vimm.s32 $0x0  }
0x9d: {  	vm4 =	vgt.f32 v28, v45;
	v11 =	vimm.s32 $0x0;
	[tilespmem:$0x1FE40] =	vst v10;
	v10 =	vld [tilespmem:s15+$0x1B80];
	v3 =	vsel vm15, $0xFFFFFFFF, v3  }
0x9e: {  	v40 =	vld [tilespmem:s15+$0x1280];
	v11 =	vsel vm4, $0xFFFFFFFF, v11;
	vm15 =	vgt.f32 v8, v45;
	[tilespmem:$0x1FF30] =	vst v3;
	v3 =	vimm.s32 $0x0  }
0x9f: {  	vm7 =	vgt.f32 v31, v45;
	v12 =	vimm.s32 $0x0;
	[tilespmem:$0x1FE70] =	vst v11;
	v11 =	vld [tilespmem:s15+$0x1C00];
	v3 =	vsel vm15, $0xFFFFFFFF, v3  }
0xa0: {  	v41 =	vld [tilespmem:s15+$0x1300];
	v12 =	vsel vm7, $0xFFFFFFFF, v12;
	vm15 =	vgt.f32 v9, v45;
	[tilespmem:$0x1FF40] =	vst v3;
	v3 =	vimm.s32 $0x0  }
0xa1: {  	vm10 =	vgt.f32 v63, v45;
	v13 =	vimm.s32 $0x0;
	[tilespmem:$0x1FEA0] =	vst v12;
	v12 =	vld [tilespmem:s15+$0x1C80];
	v3 =	vsel vm15, $0xFFFFFFFF, v3  }
0xa2: {  	v42 =	vld [tilespmem:s15+$0x1380];
	v13 =	vsel vm10, $0xFFFFFFFF, v13;
	vm15 =	vgt.f32 v10, v45;
	[tilespmem:$0x1FF50] =	vst v3;
	v3 =	vimm.s32 $0x0  }
0xa3: {  	vm13 =	vgt.f32 v37, v45;
	v14 =	vimm.s32 $0x0;
	[tilespmem:$0x1FED0] =	vst v13;
	v13 =	vld [tilespmem:s15+$0x1D00];
	v3 =	vsel vm15, $0xFFFFFFFF, v3  }
0xa4: {  	v43 =	vld [tilespmem:s15+$0x1400];
	v14 =	vsel vm13, $0xFFFFFFFF, v14;
	vm15 =	vgt.f32 v11, v45;
	[tilespmem:$0x1FF60] =	vst v3;
	v3 =	vimm.s32 $0x0  }
0xa5: {  	v15 =	vimm.s32 $0x0;
	vm14 =	vgt.f32 v40, v45;
	[tilespmem:$0x1FF00] =	vst v14;
	v14 =	vld [tilespmem:s15+$0x1D80];
	v3 =	vsel vm15, $0xFFFFFFFF, v3  }
0xa6: {  	v44 =	vld [tilespmem:s15+$0x1480];
	v15 =	vsel vm14, $0xFFFFFFFF, v15;
	vm15 =	vgt.f32 v12, v45;
	[tilespmem:$0x1FF70] =	vst v3;
	v3 =	vimm.s32 $0x0  }
0xa7: {  	[tilespmem:$0x1FF10] =	vst v15;
	v15 =	vld [tilespmem:s15+$0x1E00];
	v3 =	vsel vm15, $0xFFFFFFFF, v3  }
0xa8: {  	v46 =	vld [tilespmem:s15+$0x1500];
	vm15 =	vgt.f32 v13, v45;
	[tilespmem:$0x1FF80] =	vst v3;
	v3 =	vimm.s32 $0x0  }
0xa9: {  	v16 =	vld [tilespmem:s15+$0x1E80];
	v3 =	vsel vm15, $0xFFFFFFFF, v3  }
0xaa: {  	v47 =	vld [tilespmem:s15+$0x1580];
	vm15 =	vgt.f32 v14, v45;
	[tilespmem:$0x1FF90] =	vst v3;
	v3 =	vimm.s32 $0x0  }
0xab: {  	v48 =	vld [tilespmem:s15+$0x1600];
	v3 =	vsel vm15, $0xFFFFFFFF, v3  }
0xac: {  	v49 =	vld [tilespmem:s15+$0x1680];
	vm15 =	vgt.f32 v15, v45;
	[tilespmem:$0x1FFA0] =	vst v3;
	v3 =	vimm.s32 $0x0  }
0xad: {  	v50 =	vld [tilespmem:s15+$0x1700];
	v3 =	vsel vm15, $0xFFFFFFFF, v3  }
0xae: {  	v51 =	vld [tilespmem:s15+$0x1780];
	vm15 =	vgt.f32 v16, v45;
	[tilespmem:$0x1FFB0] =	vst v3;
	v3 =	vimm.s32 $0x0  }
0xaf: {  	[tilespmem:$0x1FD20] =	vst v4;
	v4 =	vld [tilespmem:s15+$0x1880];
	v3 =	vsel vm15, $0xFFFFFFFF, v3  }
0xb0: {  	[tilespmem:$0x1FFC0] =	vst v3;
	v3 =	vld [tilespmem:$0x1FCE0]  }
0xb1: {  	v17 =	vld [tilespmem:s15+$0x1F00]  }
0xb2: {  	v18 =	vld [tilespmem:s15+$0x1F80]  }
0xb3: {  	v20 =	vld [tilespmem:$0x1FDF0]  }
0xb4: {  	v23 =	vld [tilespmem:$0x1FE20]  }
0xb5: {  	v26 =	vld [tilespmem:$0x1FE50];
	vm2 =	vgt.f32 v4, v45;
	vm15 =	vnez.u8 v3  }
0xb6: {  	[tilespmem:$0x1FD50] =	vst v5;
	v5 =	vld [tilespmem:s15+$0x1900];
	v4 =	vimm.s32 $0x0;
	v3 =	vsel vm15, $0x3F800000, v0;
	vm15 =	vgt.f32 v17, v45  }
0xb7: {  	v29 =	vld [tilespmem:$0x1FE80];
	v4 =	vsel vm15, $0xFFFFFFFF, v4  }
0xb8: {  	v56 =	vld [tilespmem:$0x1FEB0];
	vm15 =	vgt.f32 v18, v45;
	[tilespmem:$0x1FFD0] =	vst v4;
	v4 =	vimm.s32 $0x0  }
0xb9: {  	v62 =	vld [tilespmem:$0x1FF10];
	v4 =	vsel vm15, $0xFFFFFFFF, v4  }
0xba: {  	vm3 =	vgt.f32 v48, v45;
	[tilespmem:$0x1FFE0] =	vst v4;
	v4 =	vld [tilespmem:$0x1FCF0]  }
0xbb: {  	vm0 =	vgt.f32 v51, v45;
	vm8 =	vgt.f32 v41, v45;
	vm11 =	vgt.f32 v5, v45;
	v5 =	vld [tilespmem:$0x1FD00]  }
0xbc: {  	vm14 =	vgt.f32 v43, v45;
	vm5 =	vgt.f32 v50, v45;
	v41 =	vsel vm8, $0x3F800000, v0;
	v6 =	vld [tilespmem:$0x1FD10]  }
0xbd: {  	v43 =	vsel vm14, $0x3F800000, v0;
	vm12 =	vgt.f32 v38, v45;
	vm9 =	vgt.f32 v42, v45;
	v7 =	vld [tilespmem:$0x1FD20]  }
0xbe: {  	vm6 =	vgt.f32 v44, v45;
	vm4 =	vgt.f32 v49, v45;
	v38 =	vsel vm12, $0x3F800000, v0;
	v8 =	vld [tilespmem:$0x1FD30]  }
0xbf: {  	v42 =	vsel vm9, $0x3F800000, v0;
	v44 =	vsel vm6, $0x3F800000, v0;
	v9 =	vld [tilespmem:$0x1FD40];
	vm15 =	vnez.u8 v4  }
0xc0: {  	v49 =	vsel vm5, $0x3F800000, v0;
	v10 =	vld [tilespmem:$0x1FD50];
	v4 =	vsel vm15, $0x3F800000, v0;
	vm15 =	vnez.u8 v5  }
0xc1: {  	v63 =	vsel vm0, $0x3F800000, v0;
	v11 =	vld [tilespmem:$0x1FD60];
	v5 =	vsel vm15, $0x3F800000, v0;
	vm15 =	vnez.u8 v6  }
0xc2: {  	vm13 =	vgt.f32 v39, v45;
	v12 =	vld [tilespmem:$0x1FD70];
	v6 =	vsel vm15, $0x3F800000, v0;
	vm15 =	vnez.u8 v7  }
0xc3: {  	vm7 =	vgt.f32 v46, v45;
	v13 =	vld [tilespmem:$0x1FD80];
	v7 =	vsel vm15, $0x3F800000, v0;
	vm15 =	vnez.u8 v8  }
0xc4: {  	vm10 =	vgt.f32 v47, v45;
	v14 =	vld [tilespmem:$0x1FD90];
	v8 =	vsel vm15, $0x3F800000, v0;
	vm15 =	vnez.u8 v9  }
0xc5: {  	v47 =	vsel vm3, $0x3F800000, v0;
	v15 =	vld [tilespmem:$0x1FDA0];
	v9 =	vsel vm15, $0x3F800000, v0;
	vm15 =	vnez.u8 v10  }
0xc6: {  	v48 =	vsel vm4, $0x3F800000, v0;
	v16 =	vld [tilespmem:$0x1FDB0];
	v10 =	vsel vm15, $0x3F800000, v0;
	vm15 =	vnez.u8 v11  }
0xc7: {  	v39 =	vsel vm13, $0x3F800000, v0;
	v17 =	vld [tilespmem:$0x1FDC0];
	v11 =	vsel vm15, $0x3F800000, v0;
	vm15 =	vnez.u8 v12  }
0xc8: {  	v46 =	vsel vm10, $0x3F800000, v0;
	v18 =	vld [tilespmem:$0x1FDD0];
	v12 =	vsel vm15, $0x3F800000, v0;
	vm15 =	vnez.u8 v13  }
0xc9: {  	v19 =	vld [tilespmem:$0x1FDE0];
	vm12 =	vnez.u8 v62;
	v13 =	vsel vm15, $0x3F800000, v0;
	vm15 =	vnez.u8 v14  }
0xca: {  	v21 =	vld [tilespmem:$0x1FE00];
	v40 =	vsel vm12, $0x3F800000, v0;
	v14 =	vsel vm15, $0x3F800000, v0;
	vm15 =	vnez.u8 v15  }
0xcb: {  	v24 =	vld [tilespmem:$0x1FE30];
	v3 =	vadd.f32 v4, v3;
	v15 =	vsel vm15, $0x3F800000, v0;
	vm15 =	vnez.u8 v16  }
0xcc: {  	v22 =	vld [tilespmem:$0x1FE10];
	v4 =	vadd.f32 v6, v5;
	v16 =	vsel vm15, $0x3F800000, v0;
	vm15 =	vnez.u8 v17  }
0xcd: {  	v6 =	vadd.f32 v10, v9;
	v9 =	vld [tilespmem:$0x1FF30];
	v17 =	vsel vm15, $0x3F800000, v0;
	vm15 =	vnez.u8 v18  }
0xce: {  	v27 =	vld [tilespmem:$0x1FE60];
	v52 =	vsel vm2, $0x3F800000, v0;
	v18 =	vsel vm15, $0x3F800000, v0;
	vm15 =	vnez.u8 v19  }
0xcf: {  	v25 =	vld [tilespmem:$0x1FE40];
	v53 =	vsel vm11, $0x3F800000, v0;
	v19 =	vsel vm15, $0x3F800000, v0;
	vm15 =	vnez.u8 v20  }
0xd0: {  	v30 =	vld [tilespmem:$0x1FE90];
	v5 =	vadd.f32 v8, v7;
	v20 =	vsel vm15, $0x3F800000, v0;
	vm15 =	vnez.u8 v21  }
0xd1: {  	v28 =	vld [tilespmem:$0x1FE70];
	v8 =	vadd.f32 v14, v13;
	v21 =	vsel vm15, $0x3F800000, v0;
	vm15 =	vnez.u8 v22  }
0xd2: {  	v13 =	vld [tilespmem:$0x1FF50];
	vm4 =	vnez.u8 v9;
	v22 =	vsel vm15, $0x3F800000, v0;
	vm15 =	vnez.u8 v23  }
0xd3: {  	v9 =	vadd.f32 v16, v15;
	v15 =	vld [tilespmem:$0x1FF60];
	v23 =	vsel vm15, $0x3F800000, v0;
	vm15 =	vnez.u8 v24  }
0xd4: {  	v10 =	vadd.f32 v18, v17;
	v17 =	vld [tilespmem:$0x1FF70];
	v24 =	vsel vm15, $0x3F800000, v0;
	vm15 =	vnez.u8 v25  }
0xd5: {  	v31 =	vld [tilespmem:$0x1FEA0];
	v45 =	vsel vm7, $0x3F800000, v0;
	v25 =	vsel vm15, $0x3F800000, v0;
	vm15 =	vnez.u8 v26  }
0xd6: {  	v59 =	vld [tilespmem:$0x1FEE0];
	v55 =	vsel vm4, $0x3F800000, v0;
	v26 =	vsel vm15, $0x3F800000, v0;
	vm15 =	vnez.u8 v27  }
0xd7: {  	v57 =	vld [tilespmem:$0x1FEC0];
	vm6 =	vnez.u8 v13;
	v27 =	vsel vm15, $0x3F800000, v0;
	vm15 =	vnez.u8 v28  }
0xd8: {  	v58 =	vld [tilespmem:$0x1FED0];
	vm7 =	vnez.u8 v15;
	v28 =	vsel vm15, $0x3F800000, v0;
	vm15 =	vnez.u8 v29  }
0xd9: {  	v60 =	vld [tilespmem:$0x1FEF0];
	vm8 =	vnez.u8 v17;
	v29 =	vsel vm15, $0x3F800000, v0;
	vm15 =	vnez.u8 v30  }
0xda: {  	v13 =	vadd.f32 v24, v23;
	v23 =	vld [tilespmem:$0x1FFA0];
	v30 =	vsel vm15, $0x3F800000, v0;
	vm15 =	vnez.u8 v31  }
0xdb: {  	v61 =	vld [tilespmem:$0x1FF00];
	v24 =	vadd.f32 v46, v45;
	v31 =	vsel vm15, $0x3F800000, v0;
	vm15 =	vnez.u8 v56  }
0xdc: {  	v7 =	vld [tilespmem:$0x1FF20];
	v14 =	vadd.f32 v26, v25;
	v32 =	vsel vm15, $0x3F800000, v0;
	vm15 =	vnez.u8 v57  }
0xdd: {  	v26 =	vadd.f32 v63, v49;
	v33 =	vsel vm15, $0x3F800000, v0;
	vm15 =	vnez.u8 v58  }
0xde: {  	v25 =	vld [tilespmem:$0x1FFB0];
	v15 =	vadd.f32 v28, v27;
	v34 =	vsel vm15, $0x3F800000, v0;
	vm15 =	vnez.u8 v59  }
0xdf: {  	v27 =	vld [tilespmem:$0x1FFC0];
	vm11 =	vnez.u8 v23;
	v35 =	vsel vm15, $0x3F800000, v0;
	vm15 =	vnez.u8 v60  }
0xe0: {  	v23 =	vadd.f32 v44, v43;
	v36 =	vsel vm15, $0x3F800000, v0;
	vm15 =	vnez.u8 v61  }
0xe1: {  	v37 =	vsel vm15, $0x3F800000, v0;
	vm15 =	vnez.u8 v7;
	v7 =	vadd.f32 v12, v11;
	v11 =	vld [tilespmem:$0x1FF40]  }
0xe2: {  	v16 =	vadd.f32 v30, v29;
	v62 =	vsel vm11, $0x3F800000, v0;
	v57 =	vsel vm6, $0x3F800000, v0  }
0xe3: {  	v29 =	vld [tilespmem:$0x1FFD0];
	vm12 =	vnez.u8 v25;
	v25 =	vadd.f32 v48, v47;
	v58 =	vsel vm7, $0x3F800000, v0  }
0xe4: {  	v63 =	vld [tilespmem:$0x1FFE0];
	v17 =	vadd.f32 v32, v31;
	v59 =	vsel vm8, $0x3F800000, v0;
	vm13 =	vnez.u8 v27  }
0xe5: {  	v30 =	vadd.f32 v58, v57;
	v60 =	vsel vm1, $0x3F800000, v0;
	v12 =	vadd.f32 v22, v21;
	v21 =	vld [tilespmem:$0x1FF90]  }
0xe6: {  	v18 =	vadd.f32 v34, v33;
	vm5 =	vnez.u8 v11;
	v11 =	vadd.f32 v20, v19;
	v19 =	vld [tilespmem:$0x1FF80]  }
0xe7: {  	v33 =	vsel vm12, $0x3F800000, v0;
	v34 =	vsel vm13, $0x3F800000, v0;
	v27 =	vadd.f32 v52, v60  }
0xe8: {  	p0 =	sne.s32 s17, $0xE00;
	vm14 =	vnez.u8 v29;
	v22 =	vadd.f32 v42, v41;
	v54 =	vsel vm15, $0x3F800000, v0  }
.Ltmp0:
0xe9: {  	vm15 =	vnez.u8 v63;
	v28 =	vadd.f32 v54, v53;
	v20 =	vadd.f32 v38, v37;
	(pc) =	sbr.rel @p0 .LBB2_3-.Ltmp0, $4  }
0xea: {  	vm10 =	vnez.u8 v21;
	v21 =	vadd.f32 v40, v39;
	v56 =	vsel vm5, $0x3F800000, v0  }
0xeb: {  	v61 =	vsel vm10, $0x3F800000, v0;
	v29 =	vadd.f32 v56, v55;
	vm9 =	vnez.u8 v19  }
0xec: {  	v32 =	vadd.f32 v62, v61;
	v19 =	vadd.f32 v36, v35;
	v31 =	vsel vm9, $0x3F800000, v0  }
0xed: {  	s17 =	sadd.s32 $0x200, s17;
	v35 =	vsel vm14, $0x3F800000, v0;
	v36 =	vsel vm15, $0x3F800000, v0;
	v31 =	vadd.f32 v31, v59  }
0xee: {  	v1 =	vadd.f32 v34, v33;
	v41 =	vadd.f32 v36, v35  }
0xef: {  	v3 =	vadd.f32 v4, v3;
	v42 =	vadd.f32 v6, v5  }
0xf0: {  	v43 =	vadd.f32 v8, v7;
	v44 =	vadd.f32 v10, v9  }
0xf1: {  	v45 =	vadd.f32 v12, v11;
	v46 =	vadd.f32 v14, v13  }
0xf2: {  	v47 =	vadd.f32 v16, v15;
	v48 =	vadd.f32 v18, v17  }
0xf3: {  	v49 =	vadd.f32 v20, v19;
	v50 =	vadd.f32 v22, v21  }
0xf4: {  	v51 =	vadd.f32 v24, v23;
	v52 =	vadd.f32 v26, v25  }
0xf5: {  	v53 =	vadd.f32 v28, v27;
	v54 =	vadd.f32 v30, v29  }
0xf6: {  	v55 =	vadd.f32 v32, v31;
	v1 =	vadd.f32 v41, v1  }
0xf7: {  	v3 =	vadd.f32 v42, v3;
	v56 =	vadd.f32 v44, v43  }
0xf8: {  	v57 =	vadd.f32 v46, v45;
	v58 =	vadd.f32 v48, v47  }
0xf9: {  	v59 =	vadd.f32 v50, v49;
	v60 =	vadd.f32 v52, v51  }
0xfa: {  	v61 =	vadd.f32 v54, v53;
	v1 =	vadd.f32 v1, v55  }
0xfb: {  	v3 =	vadd.f32 v56, v3;
	v62 =	vadd.f32 v58, v57  }
0xfc: {  	v63 =	vadd.f32 v60, v59;
	v1 =	vadd.f32 v1, v61;
	_ =	sdelay $0x1  }
0xfd: {  	s14 =	sadd.s32 $0x1, s14;
	v3 =	vadd.f32 v62, v3;
	v1 =	vadd.f32 v1, v63  }
0xfe: {  	p0 =	sne.s32 s14, $0x8  }
.Ltmp1:
0xff: {  	v1 =	vadd.f32 v1, v3;
	(pc) =	sbr.rel @p0 .LBB2_2-.Ltmp1, $3  }
0x100: {  	_ = 	snop  }
0x101: {  	v1 =	vadd.f32 $1.000000000e+00, v1;
	_ =	sdelay $0x1  }
0x102: {  	s13 =	sadd.s32 $0x10, s13;
	s12 =	sadd.s32 $0x10, s12;
	[tilespmem:v2+s16+$0x0 ss:$0x1] =	vst.idx.msk $0xffff, v1  }
0x103: {  	s11 =	sadd.s32 $0x1, s11  }
0x104: {  	p0 =	sne.s32 s11, s5  }
.Ltmp2:
0x105: {  	_ = 	snop;
	(pc) =	sbr.rel @p0 .LBB2_1-.Ltmp2, $4  }
0x106: {  	[hbm4b:s4+s2] =	stream.linear.scatter [tilespmem:s10], [sflag:$0x1], $0x400, $0x38;
	[tilespmem:$0x2400] =	vst v63  }
0x107: {  	_ =	swait.ge [sflag:s9], $0x400  }
0x108: {  	[sflag:s9] =	ssyncset.done $0x0  }
0x109: {  	[sflag:s9] =	ssyncadd.s32 $0xFFFFFC00  }
0x10a: {  	_ =	sfence.sel $0x180000  }
0x10b: {  	[bflag:$0x0] =	sbarrier.arrive $0xFFFF  }
0x10c: {  	p0 =	sne.s32 s0, $0x0;
	_ =	strace $0x90000047  }
0x10d: {  	s0 =	sadd.s32 @!p0 $0x100000, s1;
	[bflag:$0x2] =	sbarrier.arrive $0xFFFF  }
0x10e: {  	[sflag:s0] =	ssyncadd.tile.s32 @!p0 $0x1;
	_ =	shalt  }
.Lfunc_end2:
_tile_overlayer_lowered:
.L_overlay_start_2:
0x10f: {  	(tag) =	ssettag $0x2  }
0x110: {  	s0 =	rddreg [dreg:$0x0];
	s2 =	stileid.u32  }
0x111: {  	s1 =	rddreg [dreg:$0x1];
	p0 =	sne.s32 s2, $0x0  }
0x112: {  	s3 =	rddreg [dreg:$0x2];
	[bflag:$0x3] =	sbarrier.arrive $0xFFFF;
	s2 =	simm.s32 @!p0 $0x1C01  }
0x113: {  	[timem:s3], [sflag:s2] =	dma.local @!p0 [hbm:s0], s1  }
0x114: {  	s0 =	simm.s32 @!p0 $0x1  }
0x115: {  	_ =	swait.ge @!p0 [sflag:s0], s1  }
0x116: {  	s1 =	ssub.s32 @!p0 $0x0, s1;
	[sflag:s0] =	ssyncset.done @!p0 $0x0  }
0x117: {  	[sflag:s0] =	ssyncadd.s32 @!p0 s1  }
0x118: {  	[bflag:$0x3] =	sbarrier.arrive $0xFFFF  }
0x119: {  	_ =	shalt  }

</sc_bundles>
